<compile_context>
chip_gen: v7x
topology: tpu7x:2x2x1
jax: 0.10.2.dev20260603
libtpu: 0.0.44.dev20260713+nightly
codegen_flags: <defaults>
</compile_context>

<pallas_src>
import functools

import jax
import jax.numpy as jnp
from jax import lax
from jax.experimental import pallas as pl
from jax.experimental.pallas import tpu as pltpu
from jax.experimental.pallas import tpu_sc as plsc

F32 = jnp.float32
B, N, H, M = 8, 64, 256, 128
NN = B * N
NC, NS = 2, 16
NW = NC * NS


def _silu(x):
    return x * jax.nn.sigmoid(x)


def _tab_body(h3, wm1, tab):
    ws = wm1[1:1 + H, :]
    wd = wm1[1 + H:, :]
    for b in range(B):
        hb = h3[b]
        tab[b * N:(b + 1) * N, :] = jnp.dot(hb, ws,
                                            preferred_element_type=F32)
        tab[NN + b * N:NN + (b + 1) * N, :] = jnp.dot(
            hb, wd, preferred_element_type=F32)


def _cnt_body(srcf, dstf, srcrow, dstrow, wv, nnb, odt):
    e = srcf.shape[0]
    iota = lax.broadcasted_iota(jnp.int32, (e, N), 1)
    iota_t = lax.broadcasted_iota(jnp.int32, (N, e), 0)
    os_ = (srcf[...] == iota).astype(F32)
    od_ = (dstf[...] == iota).astype(F32)
    ost_ = (srcrow[...] == iota_t).astype(F32)
    odt_ = (dstrow[...] == iota_t).astype(F32)
    odt[...] = odt_
    cnt = jnp.dot(ost_, od_, preferred_element_type=F32)
    mult = jnp.sum(jnp.dot(os_, cnt, preferred_element_type=F32) * od_,
                   axis=1, keepdims=True)
    wv[...] = 1.0 / mult
    nnb[...] = jnp.sum(cnt, axis=1, keepdims=True)


def _edge_body(gref, srcf, dstf, wvr, nnbr, odtr, c3, h3, wn, bm1, wm2, bm2,
               wc1, bc1, wc2r, wh1h, wh1s, bh1, wh2, bh2, co, ho):
    e = srcf.shape[0]
    iota = lax.broadcasted_iota(jnp.int32, (e, N), 1)
    os_ = (srcf[...] == iota).astype(F32)
    od_ = (dstf[...] == iota).astype(F32)
    odt_ = odtr[...]
    w = wvr[...]
    nnb = nnbr[...]
    for b in range(B):
        gb = gref[b * e:(b + 1) * e, :]
        cb = c3[b]
        diff = (jnp.dot(os_, cb, preferred_element_type=F32)
                - jnp.dot(od_, cb, preferred_element_type=F32))
        d2 = jnp.sum(diff * diff, axis=1, keepdims=True)
        n2 = jnp.sqrt(d2)
        m = _silu(gb + n2 * wn[...] + bm1[...])
        f = _silu(jnp.dot(m, wm2[...], preferred_element_type=F32)
                  + bm2[...])
        cq = _silu(jnp.dot(f, wc1[...], preferred_element_type=F32)
                   + bc1[...])
        c = jnp.sum(cq * wc2r[...], axis=1, keepdims=True)
        sum_h = jnp.dot(odt_, f * w, preferred_element_type=F32)
        sum_t = jnp.dot(odt_, diff * (c * w), preferred_element_type=F32)
        co[b] = cb + sum_t / nnb
        pre = _silu(jnp.dot(h3[b], wh1h[...], preferred_element_type=F32)
                    + jnp.dot(sum_h, wh1s[...], preferred_element_type=F32)
                    + bh1[...])
        ho[b] = jnp.dot(pre, wh2[...], preferred_element_type=F32) + bh2[...]


def _mesh():
    return plsc.VectorSubcoreMesh(core_axis_name="c", subcore_axis_name="s",
                                  num_cores=NC, num_subcores=NS)


def _sc_gather(tab, idxcat, ef):
    chunk = ef // NW
    nj = chunk // 128
    nr = ef // 128

    @functools.partial(
        pl.kernel, mesh=_mesh(),
        out_type=jax.ShapeDtypeStruct((ef, M), F32),
        scratch_types=[pltpu.VMEM((2 * nj, 128), jnp.int32),
                       pltpu.VMEM((chunk, M), F32),
                       pltpu.VMEM((chunk, M), F32),
                       pltpu.SemaphoreType.DMA,
                       pltpu.SemaphoreType.DMA,
                       pltpu.SemaphoreType.DMA,
                       pltpu.SemaphoreType.DMA,
                       pltpu.SemaphoreType.DMA],
    )
    def k(tab_hbm, idx_hbm, g_hbm,
          idx, bufs, bufd, sem0, sem1, sem2, sem3, wsem):
        cid = lax.axis_index("c")
        sid = lax.axis_index("s")
        wid = sid * NC + cid
        base = wid * chunk
        gsems = [sem0, sem1, sem2, sem3]
        ic0 = pltpu.async_copy(idx_hbm.at[pl.ds(nj * wid, nj)],
                               idx.at[pl.ds(0, nj)], wsem)
        ic1 = pltpu.async_copy(idx_hbm.at[pl.ds(nr + nj * wid, nj)],
                               idx.at[pl.ds(nj, nj)], wsem)
        ic0.wait()
        ic1.wait()
        gets = [pltpu.async_copy(tab_hbm.at[idx.at[j]],
                                 (bufs if j < nj else bufd)
                                 .at[pl.ds((j % nj) * 128, 128)],
                                 gsems[j])
                for j in range(2 * nj)]
        puts = []
        for j in range(nj):
            gets[j].wait()
            gets[nj + j].wait()

            def body(r, _, j=j):
                row = j * 128 + r
                for l in range(M // 16):
                    sl = pl.ds(l * 16, 16)
                    bufs[row, sl] = bufs[row, sl] + bufd[row, sl]
                return 0

            lax.fori_loop(0, 128, body, 0)
            puts.append(pltpu.async_copy(
                bufs.at[pl.ds(j * 128, 128)],
                g_hbm.at[pl.ds(base + j * 128, 128)], wsem))
        for p in puts:
            p.wait()

    return k(tab, idxcat)


def kernel(coords, hidden, edges, Wm1, bm1, Wm2, bm2, Wc1, bc1, Wc2,
           Wh1, bh1, Wh2, bh2):
    e = edges.shape[1]
    ef = B * e

    srcf = edges[0].astype(jnp.int32)[:, None]
    dstf = edges[1].astype(jnp.int32)[:, None]
    srcrow = edges[0].astype(jnp.int32)[None, :]
    dstrow = edges[1].astype(jnp.int32)[None, :]
    er = e // 128
    srcr = edges[0].astype(jnp.int32).reshape(er, 128)
    dstr = edges[1].astype(jnp.int32).reshape(er, 128)
    boff = ((jnp.arange(B * er, dtype=jnp.int32) // er) * N)[:, None]
    idxcat = jnp.concatenate([jnp.tile(srcr, (B, 1)) + boff,
                              jnp.tile(dstr, (B, 1)) + boff + NN], axis=0)

    tab = pl.pallas_call(
        _tab_body,
        out_shape=jax.ShapeDtypeStruct((2 * NN, M), F32),
    )(hidden, Wm1)

    g = _sc_gather(tab, idxcat, ef)

    wv, nnb, odt = pl.pallas_call(
        _cnt_body,
        out_shape=(jax.ShapeDtypeStruct((e, 1), F32),
                   jax.ShapeDtypeStruct((N, 1), F32),
                   jax.ShapeDtypeStruct((N, e), F32)),
    )(srcf, dstf, srcrow, dstrow)

    co, ho = pl.pallas_call(
        _edge_body,
        out_shape=(jax.ShapeDtypeStruct((B, N, 3), F32),
                   jax.ShapeDtypeStruct((B, N, H), F32)),
    )(g, srcf, dstf, wv, nnb, odt, coords, hidden,
      Wm1[0:1], bm1[None, :], Wm2, bm2[None, :], Wc1, bc1[None, :],
      Wc2.reshape(1, M), Wh1[:H], Wh1[H:], bh1[None, :], Wh2, bh2[None, :])

    return co, ho

# --- scband reference (transcript-rebuilt; emitter-appended) ---
"""Pipeline reference for scband-egc-20298015440902 (READ-ONLY COPY).

The authoritative reference and input builder live on the scoring server;
editing this copy changes nothing except your own understanding.
"""

import jax, jax.numpy as jnp
import numpy as np


def _silu(x):
    return x * jax.nn.sigmoid(x)


def setup_inputs(seed: int = 0) -> dict:
    key = jax.random.key(seed)
    ks = jax.random.split(key, 12)
    B, N, H, M, E = 8, 64, 256, 128, 1024

    def lin(k, fi, fo):
        return (jax.random.normal(k, (fi, fo), dtype=jnp.float32) / np.sqrt(fi)).astype(jnp.float32)

    inp = {}
    inp["coords"] = jax.random.normal(ks[0], (B, N, 3), dtype=jnp.float32)
    inp["hidden"] = jax.random.normal(ks[1], (B, N, H), dtype=jnp.float32)
    inp["edges"] = jax.random.randint(ks[2], (2, E), 0, N, dtype=jnp.int32)
    inp["Wm1"] = lin(ks[3], 2 * H + 1, M)
    inp["bm1"] = jnp.zeros((M,), jnp.float32)
    inp["Wm2"] = lin(ks[4], M, M)
    inp["bm2"] = jnp.zeros((M,), jnp.float32)
    inp["Wc1"] = lin(ks[5], M, M)
    inp["bc1"] = jnp.zeros((M,), jnp.float32)
    inp["Wc2"] = lin(ks[6], M, 1)
    inp["Wh1"] = lin(ks[7], M + H, M)
    inp["bh1"] = jnp.zeros((M,), jnp.float32)
    inp["Wh2"] = lin(ks[8], M, H)
    inp["bh2"] = jnp.zeros((H,), jnp.float32)
    return inp


def reference(coords, hidden, edges, Wm1, bm1, Wm2, bm2, Wc1, bc1, Wc2, Wh1, bh1, Wh2, bh2):
    B, N = coords.shape[0], coords.shape[1]
    H = hidden.shape[2]
    num_nodes = B * N
    coords_flat = coords.reshape(num_nodes, 3)
    hidden_flat = hidden.reshape(num_nodes, H)
    # replicate per-graph edge list across the batch with node-offset shifts
    offsets = jnp.arange(B, dtype=edges.dtype) * N
    edges_flat = (edges[None, :, :] + offsets[:, None, None]).transpose(1, 0, 2).reshape(2, -1)
    src, dst = edges_flat[0], edges_flat[1]
    # get_coord_n2
    coords_diff = coords_flat[src] - coords_flat[dst]
    coords_n2 = jnp.linalg.norm(coords_diff, axis=1)
    # run_message_mlp (edge_attr is None, no edge_weight, no attention)
    h0 = hidden_flat[src]
    h1 = hidden_flat[dst]
    edge_in = jnp.concatenate([coords_n2[:, None], h0, h1], axis=1)
    m = _silu(edge_in @ Wm1 + bm1)
    edge_feat = _silu(m @ Wm2 + bm2)
    # run_coords_mlp
    c = _silu(edge_feat @ Wc1 + bc1)
    c = c @ Wc2  # [E_flat, 1], Identity since has_attention=False
    trans = coords_diff * c
    trans_adj = jnp.zeros((num_nodes, num_nodes, 3), jnp.float32).at[src, dst].set(trans)
    n_neighbors = jnp.zeros((num_nodes,), jnp.int32).at[src].add(1)
    n_nb = jnp.stack([n_neighbors, n_neighbors, n_neighbors], axis=1).astype(jnp.float32)
    sum_cols = jnp.sum(trans_adj, axis=0) / n_nb
    coords_out = coords_flat + sum_cols
    # run_hidden_mlp
    feat_adj = jnp.zeros((num_nodes, num_nodes, edge_feat.shape[1]), jnp.float32).at[src, dst].set(edge_feat)
    sum_cols_h = jnp.sum(feat_adj, axis=0)
    hin = jnp.concatenate([hidden_flat, sum_cols_h], axis=1)
    hidden_out = _silu(hin @ Wh1 + bh1) @ Wh2 + bh2
    # is_residual=False
    return coords_out.reshape(B, N, 3), hidden_out.reshape(B, N, H)

if __name__ == "__main__":
    import jax
    _d = setup_inputs()
    print(jax.jit(kernel)(*tuple(_d.values())))

</pallas_src>

<mosaic_0001>
#map = affine_map<(d0, d1) -> (0, 0)>
module attributes {stable_mosaic.version = 14 : i64} {
  func.func @k(%arg0: i32, %arg1: i32, %arg2: memref<1024x128xf32, #tpu.memory_space<hbm>>, %arg3: memref<128x128xi32, #tpu.memory_space<hbm>>, %arg4: memref<8192x128xf32, #tpu.memory_space<hbm>>, %arg5: memref<4x128xi32, #tpu.memory_space<vmem>>, %arg6: memref<256x128xf32, #tpu.memory_space<vmem>>, %arg7: memref<256x128xf32, #tpu.memory_space<vmem>>, %arg8: memref<!tpu.dma_semaphore, #tpu.memory_space<semaphore_mem>>, %arg9: memref<!tpu.dma_semaphore, #tpu.memory_space<semaphore_mem>>, %arg10: memref<!tpu.dma_semaphore, #tpu.memory_space<semaphore_mem>>, %arg11: memref<!tpu.dma_semaphore, #tpu.memory_space<semaphore_mem>>, %arg12: memref<!tpu.dma_semaphore, #tpu.memory_space<semaphore_mem>>) attributes {dimension_semantics = [#tpu.dimension_semantics<core_parallel>, #tpu.dimension_semantics<subcore_parallel>], iteration_bounds = array<i64: 2, 16>, scalar_prefetch = 0 : i64, scratch_operands = 8 : i64, tpu.core_type = #tpu.core_type<sc_vector_subcore>, window_params = [{transform_indices = #map}, {transform_indices = #map}, {transform_indices = #map}]} {
    %mul3A = arith.constant 2 : i32
    %mul3A_0 = arith.muli %arg1, %mul3A : i32
    %add3A = arith.addi %mul3A_0, %arg0 : i32
    %mul3A_1 = arith.constant 256 : i32
    %mul3A_2 = arith.muli %add3A, %mul3A_1 : i32
    %mul3A_3 = arith.constant 2 : i32
    %mul3A_4 = arith.muli %mul3A_3, %add3A : i32
    %dma_start3A = arith.constant 0 : i32
    %dma_start3A_5 = arith.constant 0 : i32
    %dma_start3A_6 = tpu.memref_slice %arg5[%dma_start3A, %dma_start3A_5] : memref<4x128xi32, #tpu.memory_space<vmem>> -> memref<2x128xi32, #tpu.memory_space<vmem>>
    %dma_start3A_7 = arith.constant 0 : i32
    %dma_start3A_8 = tpu.memref_slice %arg3[%mul3A_4, %dma_start3A_7] : memref<128x128xi32, #tpu.memory_space<hbm>> -> memref<2x128xi32, #tpu.memory_space<hbm>>
    %dma_start3A_9 = arith.constant 0 : i32
    %dma_start3A_10 = arith.constant 0 : i32
    %dma_start3A_11 = tpu.memref_slice %arg5[%dma_start3A_9, %dma_start3A_10] : memref<4x128xi32, #tpu.memory_space<vmem>> -> memref<2x128xi32, #tpu.memory_space<vmem>>
    %dma_start3A_12 = arith.constant 0 : i32
    %dma_start3A_13 = tpu.memref_slice %arg3[%mul3A_4, %dma_start3A_12] : memref<128x128xi32, #tpu.memory_space<hbm>> -> memref<2x128xi32, #tpu.memory_space<hbm>>
    tpu.enqueue_dma source(%dma_start3A_13 : memref<2x128xi32, #tpu.memory_space<hbm>>) target(%dma_start3A_11 : memref<2x128xi32, #tpu.memory_space<vmem>>) target_semaphore(%arg12 : memref<!tpu.dma_semaphore, #tpu.memory_space<semaphore_mem>>)
    %mul3A_14 = arith.constant 2 : i32
    %mul3A_15 = arith.muli %mul3A_14, %add3A : i32
    %add3A_16 = arith.constant 64 : i32
    %add3A_17 = arith.addi %add3A_16, %mul3A_15 : i32
    %dma_start3A_18 = arith.constant 2 : i32
    %dma_start3A_19 = arith.constant 0 : i32
    %dma_start3A_20 = tpu.memref_slice %arg5[%dma_start3A_18, %dma_start3A_19] : memref<4x128xi32, #tpu.memory_space<vmem>> -> memref<2x128xi32, #tpu.memory_space<vmem>>
    %dma_start3A_21 = arith.constant 0 : i32
    %dma_start3A_22 = tpu.memref_slice %arg3[%add3A_17, %dma_start3A_21] : memref<128x128xi32, #tpu.memory_space<hbm>> -> memref<2x128xi32, #tpu.memory_space<hbm>>
    %dma_start3A_23 = arith.constant 2 : i32
    %dma_start3A_24 = arith.constant 0 : i32
    %dma_start3A_25 = tpu.memref_slice %arg5[%dma_start3A_23, %dma_start3A_24] : memref<4x128xi32, #tpu.memory_space<vmem>> -> memref<2x128xi32, #tpu.memory_space<vmem>>
    %dma_start3A_26 = arith.constant 0 : i32
    %dma_start3A_27 = tpu.memref_slice %arg3[%add3A_17, %dma_start3A_26] : memref<128x128xi32, #tpu.memory_space<hbm>> -> memref<2x128xi32, #tpu.memory_space<hbm>>
    tpu.enqueue_dma source(%dma_start3A_27 : memref<2x128xi32, #tpu.memory_space<hbm>>) target(%dma_start3A_25 : memref<2x128xi32, #tpu.memory_space<vmem>>) target_semaphore(%arg12 : memref<!tpu.dma_semaphore, #tpu.memory_space<semaphore_mem>>)
    %dma_wait3A = arith.constant 0 : i32
    %dma_wait3A_28 = arith.constant 0 : i32
    %dma_wait3A_29 = tpu.memref_slice %arg5[%dma_wait3A, %dma_wait3A_28] : memref<4x128xi32, #tpu.memory_space<vmem>> -> memref<2x128xi32, #tpu.memory_space<vmem>>
    %dma_wait3A_30 = arith.constant 0 : i32
    %dma_wait3A_31 = tpu.memref_slice %arg3[%mul3A_4, %dma_wait3A_30] : memref<128x128xi32, #tpu.memory_space<hbm>> -> memref<2x128xi32, #tpu.memory_space<hbm>>
    %dma_wait3A_32 = arith.constant 0 : i32
    %dma_wait3A_33 = arith.constant 0 : i32
    %dma_wait3A_34 = tpu.memref_slice %arg5[%dma_wait3A_32, %dma_wait3A_33] : memref<4x128xi32, #tpu.memory_space<vmem>> -> memref<2x128xi32, #tpu.memory_space<vmem>>
    %dma_wait3A_35 = arith.constant 0 : i32
    %dma_wait3A_36 = tpu.memref_slice %arg3[%mul3A_4, %dma_wait3A_35] : memref<128x128xi32, #tpu.memory_space<hbm>> -> memref<2x128xi32, #tpu.memory_space<hbm>>
    tpu.wait_dma2 semaphore(%arg12 : memref<!tpu.dma_semaphore, #tpu.memory_space<semaphore_mem>>) src(%dma_wait3A_36 : memref<2x128xi32, #tpu.memory_space<hbm>>) dst(%dma_wait3A_34 : memref<2x128xi32, #tpu.memory_space<vmem>>)
    %dma_wait3A_37 = arith.constant 2 : i32
    %dma_wait3A_38 = arith.constant 0 : i32
    %dma_wait3A_39 = tpu.memref_slice %arg5[%dma_wait3A_37, %dma_wait3A_38] : memref<4x128xi32, #tpu.memory_space<vmem>> -> memref<2x128xi32, #tpu.memory_space<vmem>>
    %dma_wait3A_40 = arith.constant 0 : i32
    %dma_wait3A_41 = tpu.memref_slice %arg3[%add3A_17, %dma_wait3A_40] : memref<128x128xi32, #tpu.memory_space<hbm>> -> memref<2x128xi32, #tpu.memory_space<hbm>>
    %dma_wait3A_42 = arith.constant 2 : i32
    %dma_wait3A_43 = arith.constant 0 : i32
    %dma_wait3A_44 = tpu.memref_slice %arg5[%dma_wait3A_42, %dma_wait3A_43] : memref<4x128xi32, #tpu.memory_space<vmem>> -> memref<2x128xi32, #tpu.memory_space<vmem>>
    %dma_wait3A_45 = arith.constant 0 : i32
    %dma_wait3A_46 = tpu.memref_slice %arg3[%add3A_17, %dma_wait3A_45] : memref<128x128xi32, #tpu.memory_space<hbm>> -> memref<2x128xi32, #tpu.memory_space<hbm>>
    tpu.wait_dma2 semaphore(%arg12 : memref<!tpu.dma_semaphore, #tpu.memory_space<semaphore_mem>>) src(%dma_wait3A_46 : memref<2x128xi32, #tpu.memory_space<hbm>>) dst(%dma_wait3A_44 : memref<2x128xi32, #tpu.memory_space<vmem>>)
    %dma_start3A_47 = arith.constant 0 : i32
    %dma_start3A_48 = arith.constant 0 : i32
    %dma_start3A_49 = arith.constant 0 : i32
    %dma_start3A_50 = tpu.memref_slice %arg6[%dma_start3A_48, %dma_start3A_49] : memref<256x128xf32, #tpu.memory_space<vmem>> -> memref<128x128xf32, #tpu.memory_space<vmem>>
    %dma_start3A_51 = arith.constant 0 : i32
    %dma_start3A_52 = tpu.memref_slice %arg5[%dma_start3A_47, %dma_start3A_51] : memref<4x128xi32, #tpu.memory_space<vmem>> -> memref<1x128xi32, #tpu.memory_space<vmem>>
    %dma_start3A_53 = tpu.memref_squeeze %dma_start3A_52 : memref<1x128xi32, #tpu.memory_space<vmem>> -> memref<128xi32, #tpu.memory_space<vmem>>
    %dma_start3A_54 = arith.constant 0 : i32
    %dma_start3A_55 = arith.constant 0 : i32
    %dma_start3A_56 = tpu.memref_slice %arg2[%dma_start3A_54, %dma_start3A_55] : memref<1024x128xf32, #tpu.memory_space<hbm>> -> memref<1024x128xf32, #tpu.memory_space<hbm>>
    tpu.enqueue_indirect_dma source(%dma_start3A_56 : memref<1024x128xf32, #tpu.memory_space<hbm>>) target(%dma_start3A_50 : memref<128x128xf32, #tpu.memory_space<vmem>>) offsets(%dma_start3A_53 : memref<128xi32, #tpu.memory_space<vmem>>) semaphore(%arg8 : memref<!tpu.dma_semaphore, #tpu.memory_space<semaphore_mem>>)
    %dma_start3A_57 = arith.constant 1 : i32
    %dma_start3A_58 = arith.constant 128 : i32
    %dma_start3A_59 = arith.constant 0 : i32
    %dma_start3A_60 = tpu.memref_slice %arg6[%dma_start3A_58, %dma_start3A_59] : memref<256x128xf32, #tpu.memory_space<vmem>> -> memref<128x128xf32, #tpu.memory_space<vmem>>
    %dma_start3A_61 = arith.constant 0 : i32
    %dma_start3A_62 = tpu.memref_slice %arg5[%dma_start3A_57, %dma_start3A_61] : memref<4x128xi32, #tpu.memory_space<vmem>> -> memref<1x128xi32, #tpu.memory_space<vmem>>
    %dma_start3A_63 = tpu.memref_squeeze %dma_start3A_62 : memref<1x128xi32, #tpu.memory_space<vmem>> -> memref<128xi32, #tpu.memory_space<vmem>>
    %dma_start3A_64 = arith.constant 0 : i32
    %dma_start3A_65 = arith.constant 0 : i32
    %dma_start3A_66 = tpu.memref_slice %arg2[%dma_start3A_64, %dma_start3A_65] : memref<1024x128xf32, #tpu.memory_space<hbm>> -> memref<1024x128xf32, #tpu.memory_space<hbm>>
    tpu.enqueue_indirect_dma source(%dma_start3A_66 : memref<1024x128xf32, #tpu.memory_space<hbm>>) target(%dma_start3A_60 : memref<128x128xf32, #tpu.memory_space<vmem>>) offsets(%dma_start3A_63 : memref<128xi32, #tpu.memory_space<vmem>>) semaphore(%arg9 : memref<!tpu.dma_semaphore, #tpu.memory_space<semaphore_mem>>)
    %dma_start3A_67 = arith.constant 2 : i32
    %dma_start3A_68 = arith.constant 0 : i32
    %dma_start3A_69 = arith.constant 0 : i32
    %dma_start3A_70 = tpu.memref_slice %arg7[%dma_start3A_68, %dma_start3A_69] : memref<256x128xf32, #tpu.memory_space<vmem>> -> memref<128x128xf32, #tpu.memory_space<vmem>>
    %dma_start3A_71 = arith.constant 0 : i32
    %dma_start3A_72 = tpu.memref_slice %arg5[%dma_start3A_67, %dma_start3A_71] : memref<4x128xi32, #tpu.memory_space<vmem>> -> memref<1x128xi32, #tpu.memory_space<vmem>>
    %dma_start3A_73 = tpu.memref_squeeze %dma_start3A_72 : memref<1x128xi32, #tpu.memory_space<vmem>> -> memref<128xi32, #tpu.memory_space<vmem>>
    %dma_start3A_74 = arith.constant 0 : i32
    %dma_start3A_75 = arith.constant 0 : i32
    %dma_start3A_76 = tpu.memref_slice %arg2[%dma_start3A_74, %dma_start3A_75] : memref<1024x128xf32, #tpu.memory_space<hbm>> -> memref<1024x128xf32, #tpu.memory_space<hbm>>
    tpu.enqueue_indirect_dma source(%dma_start3A_76 : memref<1024x128xf32, #tpu.memory_space<hbm>>) target(%dma_start3A_70 : memref<128x128xf32, #tpu.memory_space<vmem>>) offsets(%dma_start3A_73 : memref<128xi32, #tpu.memory_space<vmem>>) semaphore(%arg10 : memref<!tpu.dma_semaphore, #tpu.memory_space<semaphore_mem>>)
    %dma_start3A_77 = arith.constant 3 : i32
    %dma_start3A_78 = arith.constant 128 : i32
    %dma_start3A_79 = arith.constant 0 : i32
    %dma_start3A_80 = tpu.memref_slice %arg7[%dma_start3A_78, %dma_start3A_79] : memref<256x128xf32, #tpu.memory_space<vmem>> -> memref<128x128xf32, #tpu.memory_space<vmem>>
    %dma_start3A_81 = arith.constant 0 : i32
    %dma_start3A_82 = tpu.memref_slice %arg5[%dma_start3A_77, %dma_start3A_81] : memref<4x128xi32, #tpu.memory_space<vmem>> -> memref<1x128xi32, #tpu.memory_space<vmem>>
    %dma_start3A_83 = tpu.memref_squeeze %dma_start3A_82 : memref<1x128xi32, #tpu.memory_space<vmem>> -> memref<128xi32, #tpu.memory_space<vmem>>
    %dma_start3A_84 = arith.constant 0 : i32
    %dma_start3A_85 = arith.constant 0 : i32
    %dma_start3A_86 = tpu.memref_slice %arg2[%dma_start3A_84, %dma_start3A_85] : memref<1024x128xf32, #tpu.memory_space<hbm>> -> memref<1024x128xf32, #tpu.memory_space<hbm>>
    tpu.enqueue_indirect_dma source(%dma_start3A_86 : memref<1024x128xf32, #tpu.memory_space<hbm>>) target(%dma_start3A_80 : memref<128x128xf32, #tpu.memory_space<vmem>>) offsets(%dma_start3A_83 : memref<128xi32, #tpu.memory_space<vmem>>) semaphore(%arg11 : memref<!tpu.dma_semaphore, #tpu.memory_space<semaphore_mem>>)
    %dma_wait3A_87 = arith.constant 0 : i32
    %dma_wait3A_88 = arith.constant 0 : i32
    %dma_wait3A_89 = arith.constant 0 : i32
    %dma_wait3A_90 = tpu.memref_slice %arg6[%dma_wait3A_88, %dma_wait3A_89] : memref<256x128xf32, #tpu.memory_space<vmem>> -> memref<128x128xf32, #tpu.memory_space<vmem>>
    %dma_wait3A_91 = arith.constant 0 : i32
    %dma_wait3A_92 = tpu.memref_slice %arg5[%dma_wait3A_87, %dma_wait3A_91] : memref<4x128xi32, #tpu.memory_space<vmem>> -> memref<1x128xi32, #tpu.memory_space<vmem>>
    %dma_wait3A_93 = tpu.memref_squeeze %dma_wait3A_92 : memref<1x128xi32, #tpu.memory_space<vmem>> -> memref<128xi32, #tpu.memory_space<vmem>>
    %dma_wait3A_94 = arith.constant 0 : i32
    %dma_wait3A_95 = arith.constant 0 : i32
    %dma_wait3A_96 = tpu.memref_slice %arg2[%dma_wait3A_94, %dma_wait3A_95] : memref<1024x128xf32, #tpu.memory_space<hbm>> -> memref<1024x128xf32, #tpu.memory_space<hbm>>
    tpu.wait_indirect_dma semaphore(%arg8 : memref<!tpu.dma_semaphore, #tpu.memory_space<semaphore_mem>>) src(%dma_wait3A_96 : memref<1024x128xf32, #tpu.memory_space<hbm>>) dst(%dma_wait3A_90 : memref<128x128xf32, #tpu.memory_space<vmem>>)
    %dma_wait3A_97 = arith.constant 2 : i32
    %dma_wait3A_98 = arith.constant 0 : i32
    %dma_wait3A_99 = arith.constant 0 : i32
    %dma_wait3A_100 = tpu.memref_slice %arg7[%dma_wait3A_98, %dma_wait3A_99] : memref<256x128xf32, #tpu.memory_space<vmem>> -> memref<128x128xf32, #tpu.memory_space<vmem>>
    %dma_wait3A_101 = arith.constant 0 : i32
    %dma_wait3A_102 = tpu.memref_slice %arg5[%dma_wait3A_97, %dma_wait3A_101] : memref<4x128xi32, #tpu.memory_space<vmem>> -> memref<1x128xi32, #tpu.memory_space<vmem>>
    %dma_wait3A_103 = tpu.memref_squeeze %dma_wait3A_102 : memref<1x128xi32, #tpu.memory_space<vmem>> -> memref<128xi32, #tpu.memory_space<vmem>>
    %dma_wait3A_104 = arith.constant 0 : i32
    %dma_wait3A_105 = arith.constant 0 : i32
    %dma_wait3A_106 = tpu.memref_slice %arg2[%dma_wait3A_104, %dma_wait3A_105] : memref<1024x128xf32, #tpu.memory_space<hbm>> -> memref<1024x128xf32, #tpu.memory_space<hbm>>
    tpu.wait_indirect_dma semaphore(%arg10 : memref<!tpu.dma_semaphore, #tpu.memory_space<semaphore_mem>>) src(%dma_wait3A_106 : memref<1024x128xf32, #tpu.memory_space<hbm>>) dst(%dma_wait3A_100 : memref<128x128xf32, #tpu.memory_space<vmem>>)
    %scan3A = arith.constant 0 : i32
    %scan3A_107 = arith.constant 0 : i32
    %scan3A_108 = arith.constant 128 : i32
    %scan3A_109 = arith.addi %scan3A_107, %scan3A_108 : i32
    %scan3A_110 = arith.constant 1 : i32
    %scan3A_111 = scf.for %scan3A_184 = %scan3A_107 to %scan3A_109 step %scan3A_110 iter_args(%scan3A_185 = %scan3A) -> (i32)  : i32 {
      %add3A_186 = arith.constant 0 : i32
      %add3A_187 = arith.addi %add3A_186, %scan3A_184 : i32
      %get3A = arith.index_cast %add3A_187 : i32 to index
      %get3A_188 = arith.constant 0 : index
      %get3A_189 = tpu.vector_load %arg6[%get3A, %get3A_188] {strides = array<i32>} : memref<256x128xf32, #tpu.memory_space<vmem>>, vector<1x16xf32>,
      %get3A_190 = vector.shape_cast %get3A_189 : vector<1x16xf32> to vector<16xf32>
      %get3A_191 = arith.index_cast %add3A_187 : i32 to index
      %get3A_192 = arith.constant 0 : index
      %get3A_193 = tpu.vector_load %arg7[%get3A_191, %get3A_192] {strides = array<i32>} : memref<256x128xf32, #tpu.memory_space<vmem>>, vector<1x16xf32>,
      %get3A_194 = vector.shape_cast %get3A_193 : vector<1x16xf32> to vector<16xf32>
      %add3A_195 = arith.addf %get3A_190, %get3A_194 : vector<16xf32>
      %swap3A = arith.index_cast %add3A_187 : i32 to index
      %swap3A_196 = arith.constant 0 : index
      %swap3A_197 = tpu.vector_load %arg6[%swap3A, %swap3A_196] {strides = array<i32>} : memref<256x128xf32, #tpu.memory_space<vmem>>, vector<1x16xf32>,
      %swap3A_198 = vector.shape_cast %swap3A_197 : vector<1x16xf32> to vector<16xf32>
      %swap3A_199 = vector.shape_cast %add3A_195 : vector<16xf32> to vector<1x16xf32>
      tpu.vector_store %arg6[%swap3A, %swap3A_196], %swap3A_199 {strides = array<i32>} : memref<256x128xf32, #tpu.memory_space<vmem>>, vector<1x16xf32>,
      %get3A_200 = arith.index_cast %add3A_187 : i32 to index
      %get3A_201 = arith.constant 16 : index
      %get3A_202 = tpu.vector_load %arg6[%get3A_200, %get3A_201] {strides = array<i32>} : memref<256x128xf32, #tpu.memory_space<vmem>>, vector<1x16xf32>,
      %get3A_203 = vector.shape_cast %get3A_202 : vector<1x16xf32> to vector<16xf32>
      %get3A_204 = arith.index_cast %add3A_187 : i32 to index
      %get3A_205 = arith.constant 16 : index
      %get3A_206 = tpu.vector_load %arg7[%get3A_204, %get3A_205] {strides = array<i32>} : memref<256x128xf32, #tpu.memory_space<vmem>>, vector<1x16xf32>,
      %get3A_207 = vector.shape_cast %get3A_206 : vector<1x16xf32> to vector<16xf32>
      %add3A_208 = arith.addf %get3A_203, %get3A_207 : vector<16xf32>
      %swap3A_209 = arith.index_cast %add3A_187 : i32 to index
      %swap3A_210 = arith.constant 16 : index
      %swap3A_211 = tpu.vector_load %arg6[%swap3A_209, %swap3A_210] {strides = array<i32>} : memref<256x128xf32, #tpu.memory_space<vmem>>, vector<1x16xf32>,
      %swap3A_212 = vector.shape_cast %swap3A_211 : vector<1x16xf32> to vector<16xf32>
      %swap3A_213 = vector.shape_cast %add3A_208 : vector<16xf32> to vector<1x16xf32>
      tpu.vector_store %arg6[%swap3A_209, %swap3A_210], %swap3A_213 {strides = array<i32>} : memref<256x128xf32, #tpu.memory_space<vmem>>, vector<1x16xf32>,
      %get3A_214 = arith.index_cast %add3A_187 : i32 to index
      %get3A_215 = arith.constant 32 : index
      %get3A_216 = tpu.vector_load %arg6[%get3A_214, %get3A_215] {strides = array<i32>} : memref<256x128xf32, #tpu.memory_space<vmem>>, vector<1x16xf32>,
      %get3A_217 = vector.shape_cast %get3A_216 : vector<1x16xf32> to vector<16xf32>
      %get3A_218 = arith.index_cast %add3A_187 : i32 to index
      %get3A_219 = arith.constant 32 : index
      %get3A_220 = tpu.vector_load %arg7[%get3A_218, %get3A_219] {strides = array<i32>} : memref<256x128xf32, #tpu.memory_space<vmem>>, vector<1x16xf32>,
      %get3A_221 = vector.shape_cast %get3A_220 : vector<1x16xf32> to vector<16xf32>
      %add3A_222 = arith.addf %get3A_217, %get3A_221 : vector<16xf32>
      %swap3A_223 = arith.index_cast %add3A_187 : i32 to index
      %swap3A_224 = arith.constant 32 : index
      %swap3A_225 = tpu.vector_load %arg6[%swap3A_223, %swap3A_224] {strides = array<i32>} : memref<256x128xf32, #tpu.memory_space<vmem>>, vector<1x16xf32>,
      %swap3A_226 = vector.shape_cast %swap3A_225 : vector<1x16xf32> to vector<16xf32>
      %swap3A_227 = vector.shape_cast %add3A_222 : vector<16xf32> to vector<1x16xf32>
      tpu.vector_store %arg6[%swap3A_223, %swap3A_224], %swap3A_227 {strides = array<i32>} : memref<256x128xf32, #tpu.memory_space<vmem>>, vector<1x16xf32>,
      %get3A_228 = arith.index_cast %add3A_187 : i32 to index
      %get3A_229 = arith.constant 48 : index
      %get3A_230 = tpu.vector_load %arg6[%get3A_228, %get3A_229] {strides = array<i32>} : memref<256x128xf32, #tpu.memory_space<vmem>>, vector<1x16xf32>,
      %get3A_231 = vector.shape_cast %get3A_230 : vector<1x16xf32> to vector<16xf32>
      %get3A_232 = arith.index_cast %add3A_187 : i32 to index
      %get3A_233 = arith.constant 48 : index
      %get3A_234 = tpu.vector_load %arg7[%get3A_232, %get3A_233] {strides = array<i32>} : memref<256x128xf32, #tpu.memory_space<vmem>>, vector<1x16xf32>,
      %get3A_235 = vector.shape_cast %get3A_234 : vector<1x16xf32> to vector<16xf32>
      %add3A_236 = arith.addf %get3A_231, %get3A_235 : vector<16xf32>
      %swap3A_237 = arith.index_cast %add3A_187 : i32 to index
      %swap3A_238 = arith.constant 48 : index
      %swap3A_239 = tpu.vector_load %arg6[%swap3A_237, %swap3A_238] {strides = array<i32>} : memref<256x128xf32, #tpu.memory_space<vmem>>, vector<1x16xf32>,
      %swap3A_240 = vector.shape_cast %swap3A_239 : vector<1x16xf32> to vector<16xf32>
      %swap3A_241 = vector.shape_cast %add3A_236 : vector<16xf32> to vector<1x16xf32>
      tpu.vector_store %arg6[%swap3A_237, %swap3A_238], %swap3A_241 {strides = array<i32>} : memref<256x128xf32, #tpu.memory_space<vmem>>, vector<1x16xf32>,
      %get3A_242 = arith.index_cast %add3A_187 : i32 to index
      %get3A_243 = arith.constant 64 : index
      %get3A_244 = tpu.vector_load %arg6[%get3A_242, %get3A_243] {strides = array<i32>} : memref<256x128xf32, #tpu.memory_space<vmem>>, vector<1x16xf32>,
      %get3A_245 = vector.shape_cast %get3A_244 : vector<1x16xf32> to vector<16xf32>
      %get3A_246 = arith.index_cast %add3A_187 : i32 to index
      %get3A_247 = arith.constant 64 : index
      %get3A_248 = tpu.vector_load %arg7[%get3A_246, %get3A_247] {strides = array<i32>} : memref<256x128xf32, #tpu.memory_space<vmem>>, vector<1x16xf32>,
      %get3A_249 = vector.shape_cast %get3A_248 : vector<1x16xf32> to vector<16xf32>
      %add3A_250 = arith.addf %get3A_245, %get3A_249 : vector<16xf32>
      %swap3A_251 = arith.index_cast %add3A_187 : i32 to index
      %swap3A_252 = arith.constant 64 : index
      %swap3A_253 = tpu.vector_load %arg6[%swap3A_251, %swap3A_252] {strides = array<i32>} : memref<256x128xf32, #tpu.memory_space<vmem>>, vector<1x16xf32>,
      %swap3A_254 = vector.shape_cast %swap3A_253 : vector<1x16xf32> to vector<16xf32>
      %swap3A_255 = vector.shape_cast %add3A_250 : vector<16xf32> to vector<1x16xf32>
      tpu.vector_store %arg6[%swap3A_251, %swap3A_252], %swap3A_255 {strides = array<i32>} : memref<256x128xf32, #tpu.memory_space<vmem>>, vector<1x16xf32>,
      %get3A_256 = arith.index_cast %add3A_187 : i32 to index
      %get3A_257 = arith.constant 80 : index
      %get3A_258 = tpu.vector_load %arg6[%get3A_256, %get3A_257] {strides = array<i32>} : memref<256x128xf32, #tpu.memory_space<vmem>>, vector<1x16xf32>,
      %get3A_259 = vector.shape_cast %get3A_258 : vector<1x16xf32> to vector<16xf32>
      %get3A_260 = arith.index_cast %add3A_187 : i32 to index
      %get3A_261 = arith.constant 80 : index
      %get3A_262 = tpu.vector_load %arg7[%get3A_260, %get3A_261] {strides = array<i32>} : memref<256x128xf32, #tpu.memory_space<vmem>>, vector<1x16xf32>,
      %get3A_263 = vector.shape_cast %get3A_262 : vector<1x16xf32> to vector<16xf32>
      %add3A_264 = arith.addf %get3A_259, %get3A_263 : vector<16xf32>
      %swap3A_265 = arith.index_cast %add3A_187 : i32 to index
      %swap3A_266 = arith.constant 80 : index
      %swap3A_267 = tpu.vector_load %arg6[%swap3A_265, %swap3A_266] {strides = array<i32>} : memref<256x128xf32, #tpu.memory_space<vmem>>, vector<1x16xf32>,
      %swap3A_268 = vector.shape_cast %swap3A_267 : vector<1x16xf32> to vector<16xf32>
      %swap3A_269 = vector.shape_cast %add3A_264 : vector<16xf32> to vector<1x16xf32>
      tpu.vector_store %arg6[%swap3A_265, %swap3A_266], %swap3A_269 {strides = array<i32>} : memref<256x128xf32, #tpu.memory_space<vmem>>, vector<1x16xf32>,
      %get3A_270 = arith.index_cast %add3A_187 : i32 to index
      %get3A_271 = arith.constant 96 : index
      %get3A_272 = tpu.vector_load %arg6[%get3A_270, %get3A_271] {strides = array<i32>} : memref<256x128xf32, #tpu.memory_space<vmem>>, vector<1x16xf32>,
      %get3A_273 = vector.shape_cast %get3A_272 : vector<1x16xf32> to vector<16xf32>
      %get3A_274 = arith.index_cast %add3A_187 : i32 to index
      %get3A_275 = arith.constant 96 : index
      %get3A_276 = tpu.vector_load %arg7[%get3A_274, %get3A_275] {strides = array<i32>} : memref<256x128xf32, #tpu.memory_space<vmem>>, vector<1x16xf32>,
      %get3A_277 = vector.shape_cast %get3A_276 : vector<1x16xf32> to vector<16xf32>
      %add3A_278 = arith.addf %get3A_273, %get3A_277 : vector<16xf32>
      %swap3A_279 = arith.index_cast %add3A_187 : i32 to index
      %swap3A_280 = arith.constant 96 : index
      %swap3A_281 = tpu.vector_load %arg6[%swap3A_279, %swap3A_280] {strides = array<i32>} : memref<256x128xf32, #tpu.memory_space<vmem>>, vector<1x16xf32>,
      %swap3A_282 = vector.shape_cast %swap3A_281 : vector<1x16xf32> to vector<16xf32>
      %swap3A_283 = vector.shape_cast %add3A_278 : vector<16xf32> to vector<1x16xf32>
      tpu.vector_store %arg6[%swap3A_279, %swap3A_280], %swap3A_283 {strides = array<i32>} : memref<256x128xf32, #tpu.memory_space<vmem>>, vector<1x16xf32>,
      %get3A_284 = arith.index_cast %add3A_187 : i32 to index
      %get3A_285 = arith.constant 112 : index
      %get3A_286 = tpu.vector_load %arg6[%get3A_284, %get3A_285] {strides = array<i32>} : memref<256x128xf32, #tpu.memory_space<vmem>>, vector<1x16xf32>,
      %get3A_287 = vector.shape_cast %get3A_286 : vector<1x16xf32> to vector<16xf32>
      %get3A_288 = arith.index_cast %add3A_187 : i32 to index
      %get3A_289 = arith.constant 112 : index
      %get3A_290 = tpu.vector_load %arg7[%get3A_288, %get3A_289] {strides = array<i32>} : memref<256x128xf32, #tpu.memory_space<vmem>>, vector<1x16xf32>,
      %get3A_291 = vector.shape_cast %get3A_290 : vector<1x16xf32> to vector<16xf32>
      %add3A_292 = arith.addf %get3A_287, %get3A_291 : vector<16xf32>
      %swap3A_293 = arith.index_cast %add3A_187 : i32 to index
      %swap3A_294 = arith.constant 112 : index
      %swap3A_295 = tpu.vector_load %arg6[%swap3A_293, %swap3A_294] {strides = array<i32>} : memref<256x128xf32, #tpu.memory_space<vmem>>, vector<1x16xf32>,
      %swap3A_296 = vector.shape_cast %swap3A_295 : vector<1x16xf32> to vector<16xf32>
      %swap3A_297 = vector.shape_cast %add3A_292 : vector<16xf32> to vector<1x16xf32>
      tpu.vector_store %arg6[%swap3A_293, %swap3A_294], %swap3A_297 {strides = array<i32>} : memref<256x128xf32, #tpu.memory_space<vmem>>, vector<1x16xf32>,
      %scan3A_298 = arith.constant 0 : i32
      scf.yield %scan3A_298 : i32
    }
    %scan3A_112 = arith.constant 128 : i32
    %add3A_113 = arith.constant 0 : i32
    %add3A_114 = arith.addi %mul3A_2, %add3A_113 : i32
    %dma_start3A_115 = arith.constant 0 : i32
    %dma_start3A_116 = arith.constant 0 : i32
    %dma_start3A_117 = tpu.memref_slice %arg6[%dma_start3A_115, %dma_start3A_116] : memref<256x128xf32, #tpu.memory_space<vmem>> -> memref<128x128xf32, #tpu.memory_space<vmem>>
    %dma_start3A_118 = arith.constant 0 : i32
    %dma_start3A_119 = tpu.memref_slice %arg4[%add3A_114, %dma_start3A_118] : memref<8192x128xf32, #tpu.memory_space<hbm>> -> memref<128x128xf32, #tpu.memory_space<hbm>>
    %dma_start3A_120 = arith.constant 0 : i32
    %dma_start3A_121 = tpu.memref_slice %arg4[%add3A_114, %dma_start3A_120] : memref<8192x128xf32, #tpu.memory_space<hbm>> -> memref<128x128xf32, #tpu.memory_space<hbm>>
    %dma_start3A_122 = arith.constant 0 : i32
    %dma_start3A_123 = arith.constant 0 : i32
    %dma_start3A_124 = tpu.memref_slice %arg6[%dma_start3A_122, %dma_start3A_123] : memref<256x128xf32, #tpu.memory_space<vmem>> -> memref<128x128xf32, #tpu.memory_space<vmem>>
    tpu.enqueue_dma source(%dma_start3A_124 : memref<128x128xf32, #tpu.memory_space<vmem>>) target(%dma_start3A_121 : memref<128x128xf32, #tpu.memory_space<hbm>>) target_semaphore(%arg12 : memref<!tpu.dma_semaphore, #tpu.memory_space<semaphore_mem>>)
    %dma_wait3A_125 = arith.constant 1 : i32
    %dma_wait3A_126 = arith.constant 128 : i32
    %dma_wait3A_127 = arith.constant 0 : i32
    %dma_wait3A_128 = tpu.memref_slice %arg6[%dma_wait3A_126, %dma_wait3A_127] : memref<256x128xf32, #tpu.memory_space<vmem>> -> memref<128x128xf32, #tpu.memory_space<vmem>>
    %dma_wait3A_129 = arith.constant 0 : i32
    %dma_wait3A_130 = tpu.memref_slice %arg5[%dma_wait3A_125, %dma_wait3A_129] : memref<4x128xi32, #tpu.memory_space<vmem>> -> memref<1x128xi32, #tpu.memory_space<vmem>>
    %dma_wait3A_131 = tpu.memref_squeeze %dma_wait3A_130 : memref<1x128xi32, #tpu.memory_space<vmem>> -> memref<128xi32, #tpu.memory_space<vmem>>
    %dma_wait3A_132 = arith.constant 0 : i32
    %dma_wait3A_133 = arith.constant 0 : i32
    %dma_wait3A_134 = tpu.memref_slice %arg2[%dma_wait3A_132, %dma_wait3A_133] : memref<1024x128xf32, #tpu.memory_space<hbm>> -> memref<1024x128xf32, #tpu.memory_space<hbm>>
    tpu.wait_indirect_dma semaphore(%arg9 : memref<!tpu.dma_semaphore, #tpu.memory_space<semaphore_mem>>) src(%dma_wait3A_134 : memref<1024x128xf32, #tpu.memory_space<hbm>>) dst(%dma_wait3A_128 : memref<128x128xf32, #tpu.memory_space<vmem>>)
    %dma_wait3A_135 = arith.constant 3 : i32
    %dma_wait3A_136 = arith.constant 128 : i32
    %dma_wait3A_137 = arith.constant 0 : i32
    %dma_wait3A_138 = tpu.memref_slice %arg7[%dma_wait3A_136, %dma_wait3A_137] : memref<256x128xf32, #tpu.memory_space<vmem>> -> memref<128x128xf32, #tpu.memory_space<vmem>>
    %dma_wait3A_139 = arith.constant 0 : i32
    %dma_wait3A_140 = tpu.memref_slice %arg5[%dma_wait3A_135, %dma_wait3A_139] : memref<4x128xi32, #tpu.memory_space<vmem>> -> memref<1x128xi32, #tpu.memory_space<vmem>>
    %dma_wait3A_141 = tpu.memref_squeeze %dma_wait3A_140 : memref<1x128xi32, #tpu.memory_space<vmem>> -> memref<128xi32, #tpu.memory_space<vmem>>
    %dma_wait3A_142 = arith.constant 0 : i32
    %dma_wait3A_143 = arith.constant 0 : i32
    %dma_wait3A_144 = tpu.memref_slice %arg2[%dma_wait3A_142, %dma_wait3A_143] : memref<1024x128xf32, #tpu.memory_space<hbm>> -> memref<1024x128xf32, #tpu.memory_space<hbm>>
    tpu.wait_indirect_dma semaphore(%arg11 : memref<!tpu.dma_semaphore, #tpu.memory_space<semaphore_mem>>) src(%dma_wait3A_144 : memref<1024x128xf32, #tpu.memory_space<hbm>>) dst(%dma_wait3A_138 : memref<128x128xf32, #tpu.memory_space<vmem>>)
    %scan3A_145 = arith.constant 0 : i32
    %scan3A_146 = arith.constant 0 : i32
    %scan3A_147 = arith.constant 128 : i32
    %scan3A_148 = arith.addi %scan3A_146, %scan3A_147 : i32
    %scan3A_149 = arith.constant 1 : i32
    %scan3A_150 = scf.for %scan3A_184 = %scan3A_146 to %scan3A_148 step %scan3A_149 iter_args(%scan3A_185 = %scan3A_145) -> (i32)  : i32 {
      %add3A_186 = arith.constant 128 : i32
      %add3A_187 = arith.addi %add3A_186, %scan3A_184 : i32
      %get3A = arith.index_cast %add3A_187 : i32 to index
      %get3A_188 = arith.constant 0 : index
      %get3A_189 = tpu.vector_load %arg6[%get3A, %get3A_188] {strides = array<i32>} : memref<256x128xf32, #tpu.memory_space<vmem>>, vector<1x16xf32>,
      %get3A_190 = vector.shape_cast %get3A_189 : vector<1x16xf32> to vector<16xf32>
      %get3A_191 = arith.index_cast %add3A_187 : i32 to index
      %get3A_192 = arith.constant 0 : index
      %get3A_193 = tpu.vector_load %arg7[%get3A_191, %get3A_192] {strides = array<i32>} : memref<256x128xf32, #tpu.memory_space<vmem>>, vector<1x16xf32>,
      %get3A_194 = vector.shape_cast %get3A_193 : vector<1x16xf32> to vector<16xf32>
      %add3A_195 = arith.addf %get3A_190, %get3A_194 : vector<16xf32>
      %swap3A = arith.index_cast %add3A_187 : i32 to index
      %swap3A_196 = arith.constant 0 : index
      %swap3A_197 = tpu.vector_load %arg6[%swap3A, %swap3A_196] {strides = array<i32>} : memref<256x128xf32, #tpu.memory_space<vmem>>, vector<1x16xf32>,
      %swap3A_198 = vector.shape_cast %swap3A_197 : vector<1x16xf32> to vector<16xf32>
      %swap3A_199 = vector.shape_cast %add3A_195 : vector<16xf32> to vector<1x16xf32>
      tpu.vector_store %arg6[%swap3A, %swap3A_196], %swap3A_199 {strides = array<i32>} : memref<256x128xf32, #tpu.memory_space<vmem>>, vector<1x16xf32>,
      %get3A_200 = arith.index_cast %add3A_187 : i32 to index
      %get3A_201 = arith.constant 16 : index
      %get3A_202 = tpu.vector_load %arg6[%get3A_200, %get3A_201] {strides = array<i32>} : memref<256x128xf32, #tpu.memory_space<vmem>>, vector<1x16xf32>,
      %get3A_203 = vector.shape_cast %get3A_202 : vector<1x16xf32> to vector<16xf32>
      %get3A_204 = arith.index_cast %add3A_187 : i32 to index
      %get3A_205 = arith.constant 16 : index
      %get3A_206 = tpu.vector_load %arg7[%get3A_204, %get3A_205] {strides = array<i32>} : memref<256x128xf32, #tpu.memory_space<vmem>>, vector<1x16xf32>,
      %get3A_207 = vector.shape_cast %get3A_206 : vector<1x16xf32> to vector<16xf32>
      %add3A_208 = arith.addf %get3A_203, %get3A_207 : vector<16xf32>
      %swap3A_209 = arith.index_cast %add3A_187 : i32 to index
      %swap3A_210 = arith.constant 16 : index
      %swap3A_211 = tpu.vector_load %arg6[%swap3A_209, %swap3A_210] {strides = array<i32>} : memref<256x128xf32, #tpu.memory_space<vmem>>, vector<1x16xf32>,
      %swap3A_212 = vector.shape_cast %swap3A_211 : vector<1x16xf32> to vector<16xf32>
      %swap3A_213 = vector.shape_cast %add3A_208 : vector<16xf32> to vector<1x16xf32>
      tpu.vector_store %arg6[%swap3A_209, %swap3A_210], %swap3A_213 {strides = array<i32>} : memref<256x128xf32, #tpu.memory_space<vmem>>, vector<1x16xf32>,
      %get3A_214 = arith.index_cast %add3A_187 : i32 to index
      %get3A_215 = arith.constant 32 : index
      %get3A_216 = tpu.vector_load %arg6[%get3A_214, %get3A_215] {strides = array<i32>} : memref<256x128xf32, #tpu.memory_space<vmem>>, vector<1x16xf32>,
      %get3A_217 = vector.shape_cast %get3A_216 : vector<1x16xf32> to vector<16xf32>
      %get3A_218 = arith.index_cast %add3A_187 : i32 to index
      %get3A_219 = arith.constant 32 : index
      %get3A_220 = tpu.vector_load %arg7[%get3A_218, %get3A_219] {strides = array<i32>} : memref<256x128xf32, #tpu.memory_space<vmem>>, vector<1x16xf32>,
      %get3A_221 = vector.shape_cast %get3A_220 : vector<1x16xf32> to vector<16xf32>
      %add3A_222 = arith.addf %get3A_217, %get3A_221 : vector<16xf32>
      %swap3A_223 = arith.index_cast %add3A_187 : i32 to index
      %swap3A_224 = arith.constant 32 : index
      %swap3A_225 = tpu.vector_load %arg6[%swap3A_223, %swap3A_224] {strides = array<i32>} : memref<256x128xf32, #tpu.memory_space<vmem>>, vector<1x16xf32>,
      %swap3A_226 = vector.shape_cast %swap3A_225 : vector<1x16xf32> to vector<16xf32>
      %swap3A_227 = vector.shape_cast %add3A_222 : vector<16xf32> to vector<1x16xf32>
      tpu.vector_store %arg6[%swap3A_223, %swap3A_224], %swap3A_227 {strides = array<i32>} : memref<256x128xf32, #tpu.memory_space<vmem>>, vector<1x16xf32>,
      %get3A_228 = arith.index_cast %add3A_187 : i32 to index
      %get3A_229 = arith.constant 48 : index
      %get3A_230 = tpu.vector_load %arg6[%get3A_228, %get3A_229] {strides = array<i32>} : memref<256x128xf32, #tpu.memory_space<vmem>>, vector<1x16xf32>,
      %get3A_231 = vector.shape_cast %get3A_230 : vector<1x16xf32> to vector<16xf32>
      %get3A_232 = arith.index_cast %add3A_187 : i32 to index
      %get3A_233 = arith.constant 48 : index
      %get3A_234 = tpu.vector_load %arg7[%get3A_232, %get3A_233] {strides = array<i32>} : memref<256x128xf32, #tpu.memory_space<vmem>>, vector<1x16xf32>,
      %get3A_235 = vector.shape_cast %get3A_234 : vector<1x16xf32> to vector<16xf32>
      %add3A_236 = arith.addf %get3A_231, %get3A_235 : vector<16xf32>
      %swap3A_237 = arith.index_cast %add3A_187 : i32 to index
      %swap3A_238 = arith.constant 48 : index
      %swap3A_239 = tpu.vector_load %arg6[%swap3A_237, %swap3A_238] {strides = array<i32>} : memref<256x128xf32, #tpu.memory_space<vmem>>, vector<1x16xf32>,
      %swap3A_240 = vector.shape_cast %swap3A_239 : vector<1x16xf32> to vector<16xf32>
      %swap3A_241 = vector.shape_cast %add3A_236 : vector<16xf32> to vector<1x16xf32>
      tpu.vector_store %arg6[%swap3A_237, %swap3A_238], %swap3A_241 {strides = array<i32>} : memref<256x128xf32, #tpu.memory_space<vmem>>, vector<1x16xf32>,
      %get3A_242 = arith.index_cast %add3A_187 : i32 to index
      %get3A_243 = arith.constant 64 : index
      %get3A_244 = tpu.vector_load %arg6[%get3A_242, %get3A_243] {strides = array<i32>} : memref<256x128xf32, #tpu.memory_space<vmem>>, vector<1x16xf32>,
      %get3A_245 = vector.shape_cast %get3A_244 : vector<1x16xf32> to vector<16xf32>
      %get3A_246 = arith.index_cast %add3A_187 : i32 to index
      %get3A_247 = arith.constant 64 : index
      %get3A_248 = tpu.vector_load %arg7[%get3A_246, %get3A_247] {strides = array<i32>} : memref<256x128xf32, #tpu.memory_space<vmem>>, vector<1x16xf32>,
      %get3A_249 = vector.shape_cast %get3A_248 : vector<1x16xf32> to vector<16xf32>
      %add3A_250 = arith.addf %get3A_245, %get3A_249 : vector<16xf32>
      %swap3A_251 = arith.index_cast %add3A_187 : i32 to index
      %swap3A_252 = arith.constant 64 : index
      %swap3A_253 = tpu.vector_load %arg6[%swap3A_251, %swap3A_252] {strides = array<i32>} : memref<256x128xf32, #tpu.memory_space<vmem>>, vector<1x16xf32>,
      %swap3A_254 = vector.shape_cast %swap3A_253 : vector<1x16xf32> to vector<16xf32>
      %swap3A_255 = vector.shape_cast %add3A_250 : vector<16xf32> to vector<1x16xf32>
      tpu.vector_store %arg6[%swap3A_251, %swap3A_252], %swap3A_255 {strides = array<i32>} : memref<256x128xf32, #tpu.memory_space<vmem>>, vector<1x16xf32>,
      %get3A_256 = arith.index_cast %add3A_187 : i32 to index
      %get3A_257 = arith.constant 80 : index
      %get3A_258 = tpu.vector_load %arg6[%get3A_256, %get3A_257] {strides = array<i32>} : memref<256x128xf32, #tpu.memory_space<vmem>>, vector<1x16xf32>,
      %get3A_259 = vector.shape_cast %get3A_258 : vector<1x16xf32> to vector<16xf32>
      %get3A_260 = arith.index_cast %add3A_187 : i32 to index
      %get3A_261 = arith.constant 80 : index
      %get3A_262 = tpu.vector_load %arg7[%get3A_260, %get3A_261] {strides = array<i32>} : memref<256x128xf32, #tpu.memory_space<vmem>>, vector<1x16xf32>,
      %get3A_263 = vector.shape_cast %get3A_262 : vector<1x16xf32> to vector<16xf32>
      %add3A_264 = arith.addf %get3A_259, %get3A_263 : vector<16xf32>
      %swap3A_265 = arith.index_cast %add3A_187 : i32 to index
      %swap3A_266 = arith.constant 80 : index
      %swap3A_267 = tpu.vector_load %arg6[%swap3A_265, %swap3A_266] {strides = array<i32>} : memref<256x128xf32, #tpu.memory_space<vmem>>, vector<1x16xf32>,
      %swap3A_268 = vector.shape_cast %swap3A_267 : vector<1x16xf32> to vector<16xf32>
      %swap3A_269 = vector.shape_cast %add3A_264 : vector<16xf32> to vector<1x16xf32>
      tpu.vector_store %arg6[%swap3A_265, %swap3A_266], %swap3A_269 {strides = array<i32>} : memref<256x128xf32, #tpu.memory_space<vmem>>, vector<1x16xf32>,
      %get3A_270 = arith.index_cast %add3A_187 : i32 to index
      %get3A_271 = arith.constant 96 : index
      %get3A_272 = tpu.vector_load %arg6[%get3A_270, %get3A_271] {strides = array<i32>} : memref<256x128xf32, #tpu.memory_space<vmem>>, vector<1x16xf32>,
      %get3A_273 = vector.shape_cast %get3A_272 : vector<1x16xf32> to vector<16xf32>
      %get3A_274 = arith.index_cast %add3A_187 : i32 to index
      %get3A_275 = arith.constant 96 : index
      %get3A_276 = tpu.vector_load %arg7[%get3A_274, %get3A_275] {strides = array<i32>} : memref<256x128xf32, #tpu.memory_space<vmem>>, vector<1x16xf32>,
      %get3A_277 = vector.shape_cast %get3A_276 : vector<1x16xf32> to vector<16xf32>
      %add3A_278 = arith.addf %get3A_273, %get3A_277 : vector<16xf32>
      %swap3A_279 = arith.index_cast %add3A_187 : i32 to index
      %swap3A_280 = arith.constant 96 : index
      %swap3A_281 = tpu.vector_load %arg6[%swap3A_279, %swap3A_280] {strides = array<i32>} : memref<256x128xf32, #tpu.memory_space<vmem>>, vector<1x16xf32>,
      %swap3A_282 = vector.shape_cast %swap3A_281 : vector<1x16xf32> to vector<16xf32>
      %swap3A_283 = vector.shape_cast %add3A_278 : vector<16xf32> to vector<1x16xf32>
      tpu.vector_store %arg6[%swap3A_279, %swap3A_280], %swap3A_283 {strides = array<i32>} : memref<256x128xf32, #tpu.memory_space<vmem>>, vector<1x16xf32>,
      %get3A_284 = arith.index_cast %add3A_187 : i32 to index
      %get3A_285 = arith.constant 112 : index
      %get3A_286 = tpu.vector_load %arg6[%get3A_284, %get3A_285] {strides = array<i32>} : memref<256x128xf32, #tpu.memory_space<vmem>>, vector<1x16xf32>,
      %get3A_287 = vector.shape_cast %get3A_286 : vector<1x16xf32> to vector<16xf32>
      %get3A_288 = arith.index_cast %add3A_187 : i32 to index
      %get3A_289 = arith.constant 112 : index
      %get3A_290 = tpu.vector_load %arg7[%get3A_288, %get3A_289] {strides = array<i32>} : memref<256x128xf32, #tpu.memory_space<vmem>>, vector<1x16xf32>,
      %get3A_291 = vector.shape_cast %get3A_290 : vector<1x16xf32> to vector<16xf32>
      %add3A_292 = arith.addf %get3A_287, %get3A_291 : vector<16xf32>
      %swap3A_293 = arith.index_cast %add3A_187 : i32 to index
      %swap3A_294 = arith.constant 112 : index
      %swap3A_295 = tpu.vector_load %arg6[%swap3A_293, %swap3A_294] {strides = array<i32>} : memref<256x128xf32, #tpu.memory_space<vmem>>, vector<1x16xf32>,
      %swap3A_296 = vector.shape_cast %swap3A_295 : vector<1x16xf32> to vector<16xf32>
      %swap3A_297 = vector.shape_cast %add3A_292 : vector<16xf32> to vector<1x16xf32>
      tpu.vector_store %arg6[%swap3A_293, %swap3A_294], %swap3A_297 {strides = array<i32>} : memref<256x128xf32, #tpu.memory_space<vmem>>, vector<1x16xf32>,
      %scan3A_298 = arith.constant 0 : i32
      scf.yield %scan3A_298 : i32
    }
    %scan3A_151 = arith.constant 128 : i32
    %add3A_152 = arith.constant 128 : i32
    %add3A_153 = arith.addi %mul3A_2, %add3A_152 : i32
    %dma_start3A_154 = arith.constant 128 : i32
    %dma_start3A_155 = arith.constant 0 : i32
    %dma_start3A_156 = tpu.memref_slice %arg6[%dma_start3A_154, %dma_start3A_155] : memref<256x128xf32, #tpu.memory_space<vmem>> -> memref<128x128xf32, #tpu.memory_space<vmem>>
    %dma_start3A_157 = arith.constant 0 : i32
    %dma_start3A_158 = tpu.memref_slice %arg4[%add3A_153, %dma_start3A_157] : memref<8192x128xf32, #tpu.memory_space<hbm>> -> memref<128x128xf32, #tpu.memory_space<hbm>>
    %dma_start3A_159 = arith.constant 0 : i32
    %dma_start3A_160 = tpu.memref_slice %arg4[%add3A_153, %dma_start3A_159] : memref<8192x128xf32, #tpu.memory_space<hbm>> -> memref<128x128xf32, #tpu.memory_space<hbm>>
    %dma_start3A_161 = arith.constant 128 : i32
    %dma_start3A_162 = arith.constant 0 : i32
    %dma_start3A_163 = tpu.memref_slice %arg6[%dma_start3A_161, %dma_start3A_162] : memref<256x128xf32, #tpu.memory_space<vmem>> -> memref<128x128xf32, #tpu.memory_space<vmem>>
    tpu.enqueue_dma source(%dma_start3A_163 : memref<128x128xf32, #tpu.memory_space<vmem>>) target(%dma_start3A_160 : memref<128x128xf32, #tpu.memory_space<hbm>>) target_semaphore(%arg12 : memref<!tpu.dma_semaphore, #tpu.memory_space<semaphore_mem>>)
    %dma_wait3A_164 = arith.constant 0 : i32
    %dma_wait3A_165 = arith.constant 0 : i32
    %dma_wait3A_166 = tpu.memref_slice %arg6[%dma_wait3A_164, %dma_wait3A_165] : memref<256x128xf32, #tpu.memory_space<vmem>> -> memref<128x128xf32, #tpu.memory_space<vmem>>
    %dma_wait3A_167 = arith.constant 0 : i32
    %dma_wait3A_168 = tpu.memref_slice %arg4[%add3A_114, %dma_wait3A_167] : memref<8192x128xf32, #tpu.memory_space<hbm>> -> memref<128x128xf32, #tpu.memory_space<hbm>>
    %dma_wait3A_169 = arith.constant 0 : i32
    %dma_wait3A_170 = tpu.memref_slice %arg4[%add3A_114, %dma_wait3A_169] : memref<8192x128xf32, #tpu.memory_space<hbm>> -> memref<128x128xf32, #tpu.memory_space<hbm>>
    %dma_wait3A_171 = arith.constant 0 : i32
    %dma_wait3A_172 = arith.constant 0 : i32
    %dma_wait3A_173 = tpu.memref_slice %arg6[%dma_wait3A_171, %dma_wait3A_172] : memref<256x128xf32, #tpu.memory_space<vmem>> -> memref<128x128xf32, #tpu.memory_space<vmem>>
    tpu.wait_dma2 semaphore(%arg12 : memref<!tpu.dma_semaphore, #tpu.memory_space<semaphore_mem>>) src(%dma_wait3A_173 : memref<128x128xf32, #tpu.memory_space<vmem>>) dst(%dma_wait3A_170 : memref<128x128xf32, #tpu.memory_space<hbm>>)
    %dma_wait3A_174 = arith.constant 128 : i32
    %dma_wait3A_175 = arith.constant 0 : i32
    %dma_wait3A_176 = tpu.memref_slice %arg6[%dma_wait3A_174, %dma_wait3A_175] : memref<256x128xf32, #tpu.memory_space<vmem>> -> memref<128x128xf32, #tpu.memory_space<vmem>>
    %dma_wait3A_177 = arith.constant 0 : i32
    %dma_wait3A_178 = tpu.memref_slice %arg4[%add3A_153, %dma_wait3A_177] : memref<8192x128xf32, #tpu.memory_space<hbm>> -> memref<128x128xf32, #tpu.memory_space<hbm>>
    %dma_wait3A_179 = arith.constant 0 : i32
    %dma_wait3A_180 = tpu.memref_slice %arg4[%add3A_153, %dma_wait3A_179] : memref<8192x128xf32, #tpu.memory_space<hbm>> -> memref<128x128xf32, #tpu.memory_space<hbm>>
    %dma_wait3A_181 = arith.constant 128 : i32
    %dma_wait3A_182 = arith.constant 0 : i32
    %dma_wait3A_183 = tpu.memref_slice %arg6[%dma_wait3A_181, %dma_wait3A_182] : memref<256x128xf32, #tpu.memory_space<vmem>> -> memref<128x128xf32, #tpu.memory_space<vmem>>
    tpu.wait_dma2 semaphore(%arg12 : memref<!tpu.dma_semaphore, #tpu.memory_space<semaphore_mem>>) src(%dma_wait3A_183 : memref<128x128xf32, #tpu.memory_space<vmem>>) dst(%dma_wait3A_180 : memref<128x128xf32, #tpu.memory_space<hbm>>)
    return
  }
}

module attributes {stable_mosaic.version = 14 : i64} {
  func.func @_tab_body(%arg0: memref<8x64x256xf32, #tpu.memory_space<vmem>>, %arg1: memref<513x128xf32, #tpu.memory_space<vmem>>, %arg2: memref<1024x128xf32, #tpu.memory_space<vmem>>) attributes {dimension_semantics = [], scalar_prefetch = 0 : i64, scratch_operands = 0 : i64, tpu.core_type = #tpu.core_type<tc>} {
    %get3A = arith.constant 1 : index
    %get3A_0 = arith.constant 0 : index
    %get3A_1 = vector.load %arg1[%get3A, %get3A_0] : memref<513x128xf32, #tpu.memory_space<vmem>>, vector<256x128xf32>
    %get3A_2 = arith.constant 257 : index
    %get3A_3 = arith.constant 0 : index
    %get3A_4 = vector.load %arg1[%get3A_2, %get3A_3] : memref<513x128xf32, #tpu.memory_space<vmem>>, vector<256x128xf32>
    %get3A_5 = arith.constant 0 : index
    %get3A_6 = arith.constant 0 : index
    %get3A_7 = arith.constant 0 : index
    %get3A_8 = vector.load %arg0[%get3A_5, %get3A_6, %get3A_7] : memref<8x64x256xf32, #tpu.memory_space<vmem>>, vector<1x64x256xf32>
    %get3A_9 = vector.shape_cast %get3A_8 : vector<1x64x256xf32> to vector<64x256xf32>
    %dot_general3A = arith.constant dense<0.000000e+00> : vector<64x128xf32>
    %dot_general3A_10 = tpu.matmul %get3A_9, %get3A_1, %dot_general3A {dimension_numbers = #tpu.dot_dimension_numbers<[1], [0], [0], [1], [0, 0, 1, 1], [], []>, transpose_lhs_hint = false} : vector<64x256xf32>, vector<256x128xf32>, vector<64x128xf32> -> vector<64x128xf32>
    %swap3A = arith.constant 0 : index
    %swap3A_11 = arith.constant 0 : index
    %swap3A_12 = vector.load %arg2[%swap3A, %swap3A_11] : memref<1024x128xf32, #tpu.memory_space<vmem>>, vector<64x128xf32>
    tpu.vector_store %arg2[%swap3A, %swap3A_11], %dot_general3A_10 {strides = array<i32>} : memref<1024x128xf32, #tpu.memory_space<vmem>>, vector<64x128xf32>,
    %dot_general3A_13 = arith.constant dense<0.000000e+00> : vector<64x128xf32>
    %dot_general3A_14 = tpu.matmul %get3A_9, %get3A_4, %dot_general3A_13 {dimension_numbers = #tpu.dot_dimension_numbers<[1], [0], [0], [1], [0, 0, 1, 1], [], []>, transpose_lhs_hint = false} : vector<64x256xf32>, vector<256x128xf32>, vector<64x128xf32> -> vector<64x128xf32>
    %swap3A_15 = arith.constant 512 : index
    %swap3A_16 = arith.constant 0 : index
    %swap3A_17 = vector.load %arg2[%swap3A_15, %swap3A_16] : memref<1024x128xf32, #tpu.memory_space<vmem>>, vector<64x128xf32>
    tpu.vector_store %arg2[%swap3A_15, %swap3A_16], %dot_general3A_14 {strides = array<i32>} : memref<1024x128xf32, #tpu.memory_space<vmem>>, vector<64x128xf32>,
    %get3A_18 = arith.constant 1 : index
    %get3A_19 = arith.constant 0 : index
    %get3A_20 = arith.constant 0 : index
    %get3A_21 = vector.load %arg0[%get3A_18, %get3A_19, %get3A_20] : memref<8x64x256xf32, #tpu.memory_space<vmem>>, vector<1x64x256xf32>
    %get3A_22 = vector.shape_cast %get3A_21 : vector<1x64x256xf32> to vector<64x256xf32>
    %dot_general3A_23 = arith.constant dense<0.000000e+00> : vector<64x128xf32>
    %dot_general3A_24 = tpu.matmul %get3A_22, %get3A_1, %dot_general3A_23 {dimension_numbers = #tpu.dot_dimension_numbers<[1], [0], [0], [1], [0, 0, 1, 1], [], []>, transpose_lhs_hint = false} : vector<64x256xf32>, vector<256x128xf32>, vector<64x128xf32> -> vector<64x128xf32>
    %swap3A_25 = arith.constant 64 : index
    %swap3A_26 = arith.constant 0 : index
    %swap3A_27 = vector.load %arg2[%swap3A_25, %swap3A_26] : memref<1024x128xf32, #tpu.memory_space<vmem>>, vector<64x128xf32>
    tpu.vector_store %arg2[%swap3A_25, %swap3A_26], %dot_general3A_24 {strides = array<i32>} : memref<1024x128xf32, #tpu.memory_space<vmem>>, vector<64x128xf32>,
    %dot_general3A_28 = arith.constant dense<0.000000e+00> : vector<64x128xf32>
    %dot_general3A_29 = tpu.matmul %get3A_22, %get3A_4, %dot_general3A_28 {dimension_numbers = #tpu.dot_dimension_numbers<[1], [0], [0], [1], [0, 0, 1, 1], [], []>, transpose_lhs_hint = false} : vector<64x256xf32>, vector<256x128xf32>, vector<64x128xf32> -> vector<64x128xf32>
    %swap3A_30 = arith.constant 576 : index
    %swap3A_31 = arith.constant 0 : index
    %swap3A_32 = vector.load %arg2[%swap3A_30, %swap3A_31] : memref<1024x128xf32, #tpu.memory_space<vmem>>, vector<64x128xf32>
    tpu.vector_store %arg2[%swap3A_30, %swap3A_31], %dot_general3A_29 {strides = array<i32>} : memref<1024x128xf32, #tpu.memory_space<vmem>>, vector<64x128xf32>,
    %get3A_33 = arith.constant 2 : index
    %get3A_34 = arith.constant 0 : index
    %get3A_35 = arith.constant 0 : index
    %get3A_36 = vector.load %arg0[%get3A_33, %get3A_34, %get3A_35] : memref<8x64x256xf32, #tpu.memory_space<vmem>>, vector<1x64x256xf32>
    %get3A_37 = vector.shape_cast %get3A_36 : vector<1x64x256xf32> to vector<64x256xf32>
    %dot_general3A_38 = arith.constant dense<0.000000e+00> : vector<64x128xf32>
    %dot_general3A_39 = tpu.matmul %get3A_37, %get3A_1, %dot_general3A_38 {dimension_numbers = #tpu.dot_dimension_numbers<[1], [0], [0], [1], [0, 0, 1, 1], [], []>, transpose_lhs_hint = false} : vector<64x256xf32>, vector<256x128xf32>, vector<64x128xf32> -> vector<64x128xf32>
    %swap3A_40 = arith.constant 128 : index
    %swap3A_41 = arith.constant 0 : index
    %swap3A_42 = vector.load %arg2[%swap3A_40, %swap3A_41] : memref<1024x128xf32, #tpu.memory_space<vmem>>, vector<64x128xf32>
    tpu.vector_store %arg2[%swap3A_40, %swap3A_41], %dot_general3A_39 {strides = array<i32>} : memref<1024x128xf32, #tpu.memory_space<vmem>>, vector<64x128xf32>,
    %dot_general3A_43 = arith.constant dense<0.000000e+00> : vector<64x128xf32>
    %dot_general3A_44 = tpu.matmul %get3A_37, %get3A_4, %dot_general3A_43 {dimension_numbers = #tpu.dot_dimension_numbers<[1], [0], [0], [1], [0, 0, 1, 1], [], []>, transpose_lhs_hint = false} : vector<64x256xf32>, vector<256x128xf32>, vector<64x128xf32> -> vector<64x128xf32>
    %swap3A_45 = arith.constant 640 : index
    %swap3A_46 = arith.constant 0 : index
    %swap3A_47 = vector.load %arg2[%swap3A_45, %swap3A_46] : memref<1024x128xf32, #tpu.memory_space<vmem>>, vector<64x128xf32>
    tpu.vector_store %arg2[%swap3A_45, %swap3A_46], %dot_general3A_44 {strides = array<i32>} : memref<1024x128xf32, #tpu.memory_space<vmem>>, vector<64x128xf32>,
    %get3A_48 = arith.constant 3 : index
    %get3A_49 = arith.constant 0 : index
    %get3A_50 = arith.constant 0 : index
    %get3A_51 = vector.load %arg0[%get3A_48, %get3A_49, %get3A_50] : memref<8x64x256xf32, #tpu.memory_space<vmem>>, vector<1x64x256xf32>
    %get3A_52 = vector.shape_cast %get3A_51 : vector<1x64x256xf32> to vector<64x256xf32>
    %dot_general3A_53 = arith.constant dense<0.000000e+00> : vector<64x128xf32>
    %dot_general3A_54 = tpu.matmul %get3A_52, %get3A_1, %dot_general3A_53 {dimension_numbers = #tpu.dot_dimension_numbers<[1], [0], [0], [1], [0, 0, 1, 1], [], []>, transpose_lhs_hint = false} : vector<64x256xf32>, vector<256x128xf32>, vector<64x128xf32> -> vector<64x128xf32>
    %swap3A_55 = arith.constant 192 : index
    %swap3A_56 = arith.constant 0 : index
    %swap3A_57 = vector.load %arg2[%swap3A_55, %swap3A_56] : memref<1024x128xf32, #tpu.memory_space<vmem>>, vector<64x128xf32>
    tpu.vector_store %arg2[%swap3A_55, %swap3A_56], %dot_general3A_54 {strides = array<i32>} : memref<1024x128xf32, #tpu.memory_space<vmem>>, vector<64x128xf32>,
    %dot_general3A_58 = arith.constant dense<0.000000e+00> : vector<64x128xf32>
    %dot_general3A_59 = tpu.matmul %get3A_52, %get3A_4, %dot_general3A_58 {dimension_numbers = #tpu.dot_dimension_numbers<[1], [0], [0], [1], [0, 0, 1, 1], [], []>, transpose_lhs_hint = false} : vector<64x256xf32>, vector<256x128xf32>, vector<64x128xf32> -> vector<64x128xf32>
    %swap3A_60 = arith.constant 704 : index
    %swap3A_61 = arith.constant 0 : index
    %swap3A_62 = vector.load %arg2[%swap3A_60, %swap3A_61] : memref<1024x128xf32, #tpu.memory_space<vmem>>, vector<64x128xf32>
    tpu.vector_store %arg2[%swap3A_60, %swap3A_61], %dot_general3A_59 {strides = array<i32>} : memref<1024x128xf32, #tpu.memory_space<vmem>>, vector<64x128xf32>,
    %get3A_63 = arith.constant 4 : index
    %get3A_64 = arith.constant 0 : index
    %get3A_65 = arith.constant 0 : index
    %get3A_66 = vector.load %arg0[%get3A_63, %get3A_64, %get3A_65] : memref<8x64x256xf32, #tpu.memory_space<vmem>>, vector<1x64x256xf32>
    %get3A_67 = vector.shape_cast %get3A_66 : vector<1x64x256xf32> to vector<64x256xf32>
    %dot_general3A_68 = arith.constant dense<0.000000e+00> : vector<64x128xf32>
    %dot_general3A_69 = tpu.matmul %get3A_67, %get3A_1, %dot_general3A_68 {dimension_numbers = #tpu.dot_dimension_numbers<[1], [0], [0], [1], [0, 0, 1, 1], [], []>, transpose_lhs_hint = false} : vector<64x256xf32>, vector<256x128xf32>, vector<64x128xf32> -> vector<64x128xf32>
    %swap3A_70 = arith.constant 256 : index
    %swap3A_71 = arith.constant 0 : index
    %swap3A_72 = vector.load %arg2[%swap3A_70, %swap3A_71] : memref<1024x128xf32, #tpu.memory_space<vmem>>, vector<64x128xf32>
    tpu.vector_store %arg2[%swap3A_70, %swap3A_71], %dot_general3A_69 {strides = array<i32>} : memref<1024x128xf32, #tpu.memory_space<vmem>>, vector<64x128xf32>,
    %dot_general3A_73 = arith.constant dense<0.000000e+00> : vector<64x128xf32>
    %dot_general3A_74 = tpu.matmul %get3A_67, %get3A_4, %dot_general3A_73 {dimension_numbers = #tpu.dot_dimension_numbers<[1], [0], [0], [1], [0, 0, 1, 1], [], []>, transpose_lhs_hint = false} : vector<64x256xf32>, vector<256x128xf32>, vector<64x128xf32> -> vector<64x128xf32>
    %swap3A_75 = arith.constant 768 : index
    %swap3A_76 = arith.constant 0 : index
    %swap3A_77 = vector.load %arg2[%swap3A_75, %swap3A_76] : memref<1024x128xf32, #tpu.memory_space<vmem>>, vector<64x128xf32>
    tpu.vector_store %arg2[%swap3A_75, %swap3A_76], %dot_general3A_74 {strides = array<i32>} : memref<1024x128xf32, #tpu.memory_space<vmem>>, vector<64x128xf32>,
    %get3A_78 = arith.constant 5 : index
    %get3A_79 = arith.constant 0 : index
    %get3A_80 = arith.constant 0 : index
    %get3A_81 = vector.load %arg0[%get3A_78, %get3A_79, %get3A_80] : memref<8x64x256xf32, #tpu.memory_space<vmem>>, vector<1x64x256xf32>
    %get3A_82 = vector.shape_cast %get3A_81 : vector<1x64x256xf32> to vector<64x256xf32>
    %dot_general3A_83 = arith.constant dense<0.000000e+00> : vector<64x128xf32>
    %dot_general3A_84 = tpu.matmul %get3A_82, %get3A_1, %dot_general3A_83 {dimension_numbers = #tpu.dot_dimension_numbers<[1], [0], [0], [1], [0, 0, 1, 1], [], []>, transpose_lhs_hint = false} : vector<64x256xf32>, vector<256x128xf32>, vector<64x128xf32> -> vector<64x128xf32>
    %swap3A_85 = arith.constant 320 : index
    %swap3A_86 = arith.constant 0 : index
    %swap3A_87 = vector.load %arg2[%swap3A_85, %swap3A_86] : memref<1024x128xf32, #tpu.memory_space<vmem>>, vector<64x128xf32>
    tpu.vector_store %arg2[%swap3A_85, %swap3A_86], %dot_general3A_84 {strides = array<i32>} : memref<1024x128xf32, #tpu.memory_space<vmem>>, vector<64x128xf32>,
    %dot_general3A_88 = arith.constant dense<0.000000e+00> : vector<64x128xf32>
    %dot_general3A_89 = tpu.matmul %get3A_82, %get3A_4, %dot_general3A_88 {dimension_numbers = #tpu.dot_dimension_numbers<[1], [0], [0], [1], [0, 0, 1, 1], [], []>, transpose_lhs_hint = false} : vector<64x256xf32>, vector<256x128xf32>, vector<64x128xf32> -> vector<64x128xf32>
    %swap3A_90 = arith.constant 832 : index
    %swap3A_91 = arith.constant 0 : index
    %swap3A_92 = vector.load %arg2[%swap3A_90, %swap3A_91] : memref<1024x128xf32, #tpu.memory_space<vmem>>, vector<64x128xf32>
    tpu.vector_store %arg2[%swap3A_90, %swap3A_91], %dot_general3A_89 {strides = array<i32>} : memref<1024x128xf32, #tpu.memory_space<vmem>>, vector<64x128xf32>,
    %get3A_93 = arith.constant 6 : index
    %get3A_94 = arith.constant 0 : index
    %get3A_95 = arith.constant 0 : index
    %get3A_96 = vector.load %arg0[%get3A_93, %get3A_94, %get3A_95] : memref<8x64x256xf32, #tpu.memory_space<vmem>>, vector<1x64x256xf32>
    %get3A_97 = vector.shape_cast %get3A_96 : vector<1x64x256xf32> to vector<64x256xf32>
    %dot_general3A_98 = arith.constant dense<0.000000e+00> : vector<64x128xf32>
    %dot_general3A_99 = tpu.matmul %get3A_97, %get3A_1, %dot_general3A_98 {dimension_numbers = #tpu.dot_dimension_numbers<[1], [0], [0], [1], [0, 0, 1, 1], [], []>, transpose_lhs_hint = false} : vector<64x256xf32>, vector<256x128xf32>, vector<64x128xf32> -> vector<64x128xf32>
    %swap3A_100 = arith.constant 384 : index
    %swap3A_101 = arith.constant 0 : index
    %swap3A_102 = vector.load %arg2[%swap3A_100, %swap3A_101] : memref<1024x128xf32, #tpu.memory_space<vmem>>, vector<64x128xf32>
    tpu.vector_store %arg2[%swap3A_100, %swap3A_101], %dot_general3A_99 {strides = array<i32>} : memref<1024x128xf32, #tpu.memory_space<vmem>>, vector<64x128xf32>,
    %dot_general3A_103 = arith.constant dense<0.000000e+00> : vector<64x128xf32>
    %dot_general3A_104 = tpu.matmul %get3A_97, %get3A_4, %dot_general3A_103 {dimension_numbers = #tpu.dot_dimension_numbers<[1], [0], [0], [1], [0, 0, 1, 1], [], []>, transpose_lhs_hint = false} : vector<64x256xf32>, vector<256x128xf32>, vector<64x128xf32> -> vector<64x128xf32>
    %swap3A_105 = arith.constant 896 : index
    %swap3A_106 = arith.constant 0 : index
    %swap3A_107 = vector.load %arg2[%swap3A_105, %swap3A_106] : memref<1024x128xf32, #tpu.memory_space<vmem>>, vector<64x128xf32>
    tpu.vector_store %arg2[%swap3A_105, %swap3A_106], %dot_general3A_104 {strides = array<i32>} : memref<1024x128xf32, #tpu.memory_space<vmem>>, vector<64x128xf32>,
    %get3A_108 = arith.constant 7 : index
    %get3A_109 = arith.constant 0 : index
    %get3A_110 = arith.constant 0 : index
    %get3A_111 = vector.load %arg0[%get3A_108, %get3A_109, %get3A_110] : memref<8x64x256xf32, #tpu.memory_space<vmem>>, vector<1x64x256xf32>
    %get3A_112 = vector.shape_cast %get3A_111 : vector<1x64x256xf32> to vector<64x256xf32>
    %dot_general3A_113 = arith.constant dense<0.000000e+00> : vector<64x128xf32>
    %dot_general3A_114 = tpu.matmul %get3A_112, %get3A_1, %dot_general3A_113 {dimension_numbers = #tpu.dot_dimension_numbers<[1], [0], [0], [1], [0, 0, 1, 1], [], []>, transpose_lhs_hint = false} : vector<64x256xf32>, vector<256x128xf32>, vector<64x128xf32> -> vector<64x128xf32>
    %swap3A_115 = arith.constant 448 : index
    %swap3A_116 = arith.constant 0 : index
    %swap3A_117 = vector.load %arg2[%swap3A_115, %swap3A_116] : memref<1024x128xf32, #tpu.memory_space<vmem>>, vector<64x128xf32>
    tpu.vector_store %arg2[%swap3A_115, %swap3A_116], %dot_general3A_114 {strides = array<i32>} : memref<1024x128xf32, #tpu.memory_space<vmem>>, vector<64x128xf32>,
    %dot_general3A_118 = arith.constant dense<0.000000e+00> : vector<64x128xf32>
    %dot_general3A_119 = tpu.matmul %get3A_112, %get3A_4, %dot_general3A_118 {dimension_numbers = #tpu.dot_dimension_numbers<[1], [0], [0], [1], [0, 0, 1, 1], [], []>, transpose_lhs_hint = false} : vector<64x256xf32>, vector<256x128xf32>, vector<64x128xf32> -> vector<64x128xf32>
    %swap3A_120 = arith.constant 960 : index
    %swap3A_121 = arith.constant 0 : index
    %swap3A_122 = vector.load %arg2[%swap3A_120, %swap3A_121] : memref<1024x128xf32, #tpu.memory_space<vmem>>, vector<64x128xf32>
    tpu.vector_store %arg2[%swap3A_120, %swap3A_121], %dot_general3A_119 {strides = array<i32>} : memref<1024x128xf32, #tpu.memory_space<vmem>>, vector<64x128xf32>,
    return
  }
}

module attributes {stable_mosaic.version = 14 : i64} {
  func.func @_cnt_body(%arg0: memref<1024x1xi32, #tpu.memory_space<vmem>>, %arg1: memref<1024x1xi32, #tpu.memory_space<vmem>>, %arg2: memref<1x1024xi32, #tpu.memory_space<vmem>>, %arg3: memref<1x1024xi32, #tpu.memory_space<vmem>>, %arg4: memref<1024x1xf32, #tpu.memory_space<vmem>>, %arg5: memref<64x1xf32, #tpu.memory_space<vmem>>, %arg6: memref<64x1024xf32, #tpu.memory_space<vmem>>) attributes {dimension_semantics = [], scalar_prefetch = 0 : i64, scratch_operands = 0 : i64, tpu.core_type = #tpu.core_type<tc>} {
    %iota3A = tpu.iota {dimensions = array<i32: 1>} : vector<1024x64xi32>
    %iota3A_0 = tpu.iota {dimensions = array<i32: 0>} : vector<64x1024xi32>
    %get3A = arith.constant 0 : index
    %get3A_1 = arith.constant 0 : index
    %get3A_2 = vector.load %arg0[%get3A, %get3A_1] : memref<1024x1xi32, #tpu.memory_space<vmem>>, vector<1024x1xi32>
    %eq3A = vector.broadcast %get3A_2 : vector<1024x1xi32> to vector<1024x64xi32>
    %eq3A_3 = arith.cmpi eq, %eq3A, %iota3A : vector<1024x64xi32>
    %convert_element_type3A = arith.extui %eq3A_3 : vector<1024x64xi1> to vector<1024x64xi32>
    %convert_element_type3A_4 = arith.sitofp %convert_element_type3A : vector<1024x64xi32> to vector<1024x64xf32>
    %get3A_5 = arith.constant 0 : index
    %get3A_6 = arith.constant 0 : index
    %get3A_7 = vector.load %arg1[%get3A_5, %get3A_6] : memref<1024x1xi32, #tpu.memory_space<vmem>>, vector<1024x1xi32>
    %eq3A_8 = vector.broadcast %get3A_7 : vector<1024x1xi32> to vector<1024x64xi32>
    %eq3A_9 = arith.cmpi eq, %eq3A_8, %iota3A : vector<1024x64xi32>
    %convert_element_type3A_10 = arith.extui %eq3A_9 : vector<1024x64xi1> to vector<1024x64xi32>
    %convert_element_type3A_11 = arith.sitofp %convert_element_type3A_10 : vector<1024x64xi32> to vector<1024x64xf32>
    %get3A_12 = arith.constant 0 : index
    %get3A_13 = arith.constant 0 : index
    %get3A_14 = vector.load %arg2[%get3A_12, %get3A_13] : memref<1x1024xi32, #tpu.memory_space<vmem>>, vector<1x1024xi32>
    %eq3A_15 = vector.broadcast %get3A_14 : vector<1x1024xi32> to vector<64x1024xi32>
    %eq3A_16 = arith.cmpi eq, %eq3A_15, %iota3A_0 : vector<64x1024xi32>
    %convert_element_type3A_17 = arith.extui %eq3A_16 : vector<64x1024xi1> to vector<64x1024xi32>
    %convert_element_type3A_18 = arith.sitofp %convert_element_type3A_17 : vector<64x1024xi32> to vector<64x1024xf32>
    %get3A_19 = arith.constant 0 : index
    %get3A_20 = arith.constant 0 : index
    %get3A_21 = vector.load %arg3[%get3A_19, %get3A_20] : memref<1x1024xi32, #tpu.memory_space<vmem>>, vector<1x1024xi32>
    %eq3A_22 = vector.broadcast %get3A_21 : vector<1x1024xi32> to vector<64x1024xi32>
    %eq3A_23 = arith.cmpi eq, %eq3A_22, %iota3A_0 : vector<64x1024xi32>
    %convert_element_type3A_24 = arith.extui %eq3A_23 : vector<64x1024xi1> to vector<64x1024xi32>
    %convert_element_type3A_25 = arith.sitofp %convert_element_type3A_24 : vector<64x1024xi32> to vector<64x1024xf32>
    %swap3A = arith.constant 0 : index
    %swap3A_26 = arith.constant 0 : index
    %swap3A_27 = vector.load %arg6[%swap3A, %swap3A_26] : memref<64x1024xf32, #tpu.memory_space<vmem>>, vector<64x1024xf32>
    tpu.vector_store %arg6[%swap3A, %swap3A_26], %convert_element_type3A_25 {strides = array<i32>} : memref<64x1024xf32, #tpu.memory_space<vmem>>, vector<64x1024xf32>,
    %dot_general3A = arith.constant dense<0.000000e+00> : vector<64x64xf32>
    %dot_general3A_28 = tpu.matmul %convert_element_type3A_18, %convert_element_type3A_11, %dot_general3A {dimension_numbers = #tpu.dot_dimension_numbers<[1], [0], [0], [1], [0, 0, 1, 1], [], []>, transpose_lhs_hint = false} : vector<64x1024xf32>, vector<1024x64xf32>, vector<64x64xf32> -> vector<64x64xf32>
    %dot_general3A_29 = arith.constant dense<0.000000e+00> : vector<1024x64xf32>
    %dot_general3A_30 = tpu.matmul %convert_element_type3A_4, %dot_general3A_28, %dot_general3A_29 {dimension_numbers = #tpu.dot_dimension_numbers<[1], [0], [0], [1], [0, 0, 1, 1], [], []>, transpose_lhs_hint = false} : vector<1024x64xf32>, vector<64x64xf32>, vector<1024x64xf32> -> vector<1024x64xf32>
    %mul3A = arith.mulf %dot_general3A_30, %convert_element_type3A_11 : vector<1024x64xf32>
    %reduce_sum3A = arith.constant dense<0.000000e+00> : vector<1024xf32>
    %reduce_sum3A_31 = vector.multi_reduction <add>, %mul3A, %reduce_sum3A [1] : vector<1024x64xf32> to vector<1024xf32>
    %broadcast_in_dim3A = vector.shape_cast %reduce_sum3A_31 : vector<1024xf32> to vector<1024x1xf32>
    %div3A = arith.constant 1.000000e+00 : f32
    %div3A_32 = vector.broadcast %div3A : f32 to vector<1024x1xf32>
    %div3A_33 = arith.divf %div3A_32, %broadcast_in_dim3A : vector<1024x1xf32>
    %swap3A_34 = arith.constant 0 : index
    %swap3A_35 = arith.constant 0 : index
    %swap3A_36 = vector.load %arg4[%swap3A_34, %swap3A_35] : memref<1024x1xf32, #tpu.memory_space<vmem>>, vector<1024x1xf32>
    tpu.vector_store %arg4[%swap3A_34, %swap3A_35], %div3A_33 {strides = array<i32>} : memref<1024x1xf32, #tpu.memory_space<vmem>>, vector<1024x1xf32>,
    %reduce_sum3A_37 = arith.constant dense<0.000000e+00> : vector<64xf32>
    %reduce_sum3A_38 = vector.multi_reduction <add>, %dot_general3A_28, %reduce_sum3A_37 [1] : vector<64x64xf32> to vector<64xf32>
    %broadcast_in_dim3A_39 = vector.shape_cast %reduce_sum3A_38 : vector<64xf32> to vector<64x1xf32>
    %swap3A_40 = arith.constant 0 : index
    %swap3A_41 = arith.constant 0 : index
    %swap3A_42 = vector.load %arg5[%swap3A_40, %swap3A_41] : memref<64x1xf32, #tpu.memory_space<vmem>>, vector<64x1xf32>
    tpu.vector_store %arg5[%swap3A_40, %swap3A_41], %broadcast_in_dim3A_39 {strides = array<i32>} : memref<64x1xf32, #tpu.memory_space<vmem>>, vector<64x1xf32>,
    return
  }
}

module attributes {stable_mosaic.version = 14 : i64} {
  func.func @_edge_body(%arg0: memref<8192x128xf32, #tpu.memory_space<vmem>>, %arg1: memref<1024x1xi32, #tpu.memory_space<vmem>>, %arg2: memref<1024x1xi32, #tpu.memory_space<vmem>>, %arg3: memref<1024x1xf32, #tpu.memory_space<vmem>>, %arg4: memref<64x1xf32, #tpu.memory_space<vmem>>, %arg5: memref<64x1024xf32, #tpu.memory_space<vmem>>, %arg6: memref<8x64x3xf32, #tpu.memory_space<vmem>>, %arg7: memref<8x64x256xf32, #tpu.memory_space<vmem>>, %arg8: memref<1x128xf32, #tpu.memory_space<vmem>>, %arg9: memref<1x128xf32, #tpu.memory_space<vmem>>, %arg10: memref<128x128xf32, #tpu.memory_space<vmem>>, %arg11: memref<1x128xf32, #tpu.memory_space<vmem>>, %arg12: memref<128x128xf32, #tpu.memory_space<vmem>>, %arg13: memref<1x128xf32, #tpu.memory_space<vmem>>, %arg14: memref<1x128xf32, #tpu.memory_space<vmem>>, %arg15: memref<256x128xf32, #tpu.memory_space<vmem>>, %arg16: memref<128x128xf32, #tpu.memory_space<vmem>>, %arg17: memref<1x128xf32, #tpu.memory_space<vmem>>, %arg18: memref<128x256xf32, #tpu.memory_space<vmem>>, %arg19: memref<1x256xf32, #tpu.memory_space<vmem>>, %arg20: memref<8x64x3xf32, #tpu.memory_space<vmem>>, %arg21: memref<8x64x256xf32, #tpu.memory_space<vmem>>) attributes {dimension_semantics = [], scalar_prefetch = 0 : i64, scratch_operands = 0 : i64, tpu.core_type = #tpu.core_type<tc>} {
    %iota3A = tpu.iota {dimensions = array<i32: 1>} : vector<1024x64xi32>
    %get3A = arith.constant 0 : index
    %get3A_0 = arith.constant 0 : index
    %get3A_1 = vector.load %arg1[%get3A, %get3A_0] : memref<1024x1xi32, #tpu.memory_space<vmem>>, vector<1024x1xi32>
    %eq3A = vector.broadcast %get3A_1 : vector<1024x1xi32> to vector<1024x64xi32>
    %eq3A_2 = arith.cmpi eq, %eq3A, %iota3A : vector<1024x64xi32>
    %convert_element_type3A = arith.extui %eq3A_2 : vector<1024x64xi1> to vector<1024x64xi32>
    %convert_element_type3A_3 = arith.sitofp %convert_element_type3A : vector<1024x64xi32> to vector<1024x64xf32>
    %get3A_4 = arith.constant 0 : index
    %get3A_5 = arith.constant 0 : index
    %get3A_6 = vector.load %arg2[%get3A_4, %get3A_5] : memref<1024x1xi32, #tpu.memory_space<vmem>>, vector<1024x1xi32>
    %eq3A_7 = vector.broadcast %get3A_6 : vector<1024x1xi32> to vector<1024x64xi32>
    %eq3A_8 = arith.cmpi eq, %eq3A_7, %iota3A : vector<1024x64xi32>
    %convert_element_type3A_9 = arith.extui %eq3A_8 : vector<1024x64xi1> to vector<1024x64xi32>
    %convert_element_type3A_10 = arith.sitofp %convert_element_type3A_9 : vector<1024x64xi32> to vector<1024x64xf32>
    %get3A_11 = arith.constant 0 : index
    %get3A_12 = arith.constant 0 : index
    %get3A_13 = vector.load %arg5[%get3A_11, %get3A_12] : memref<64x1024xf32, #tpu.memory_space<vmem>>, vector<64x1024xf32>
    %get3A_14 = arith.constant 0 : index
    %get3A_15 = arith.constant 0 : index
    %get3A_16 = vector.load %arg3[%get3A_14, %get3A_15] : memref<1024x1xf32, #tpu.memory_space<vmem>>, vector<1024x1xf32>
    %get3A_17 = arith.constant 0 : index
    %get3A_18 = arith.constant 0 : index
    %get3A_19 = vector.load %arg4[%get3A_17, %get3A_18] : memref<64x1xf32, #tpu.memory_space<vmem>>, vector<64x1xf32>
    %get3A_20 = arith.constant 0 : index
    %get3A_21 = arith.constant 0 : index
    %get3A_22 = vector.load %arg0[%get3A_20, %get3A_21] : memref<8192x128xf32, #tpu.memory_space<vmem>>, vector<1024x128xf32>
    %get3A_23 = arith.constant 0 : index
    %get3A_24 = arith.constant 0 : index
    %get3A_25 = arith.constant 0 : index
    %get3A_26 = vector.load %arg6[%get3A_23, %get3A_24, %get3A_25] : memref<8x64x3xf32, #tpu.memory_space<vmem>>, vector<1x64x3xf32>
    %get3A_27 = vector.shape_cast %get3A_26 : vector<1x64x3xf32> to vector<64x3xf32>
    %dot_general3A = arith.constant dense<0.000000e+00> : vector<1024x3xf32>
    %dot_general3A_28 = tpu.matmul %convert_element_type3A_3, %get3A_27, %dot_general3A {dimension_numbers = #tpu.dot_dimension_numbers<[1], [0], [0], [1], [0, 0, 1, 1], [], []>, transpose_lhs_hint = false} : vector<1024x64xf32>, vector<64x3xf32>, vector<1024x3xf32> -> vector<1024x3xf32>
    %dot_general3A_29 = arith.constant dense<0.000000e+00> : vector<1024x3xf32>
    %dot_general3A_30 = tpu.matmul %convert_element_type3A_10, %get3A_27, %dot_general3A_29 {dimension_numbers = #tpu.dot_dimension_numbers<[1], [0], [0], [1], [0, 0, 1, 1], [], []>, transpose_lhs_hint = false} : vector<1024x64xf32>, vector<64x3xf32>, vector<1024x3xf32> -> vector<1024x3xf32>
    %sub3A = arith.subf %dot_general3A_28, %dot_general3A_30 : vector<1024x3xf32>
    %mul3A = arith.mulf %sub3A, %sub3A : vector<1024x3xf32>
    %reduce_sum3A = arith.constant dense<0.000000e+00> : vector<1024xf32>
    %reduce_sum3A_31 = vector.multi_reduction <add>, %mul3A, %reduce_sum3A [1] : vector<1024x3xf32> to vector<1024xf32>
    %broadcast_in_dim3A = vector.shape_cast %reduce_sum3A_31 : vector<1024xf32> to vector<1024x1xf32>
    %sqrt3A = math.sqrt %broadcast_in_dim3A : vector<1024x1xf32>
    %get3A_32 = arith.constant 0 : index
    %get3A_33 = arith.constant 0 : index
    %get3A_34 = vector.load %arg8[%get3A_32, %get3A_33] : memref<1x128xf32, #tpu.memory_space<vmem>>, vector<1x128xf32>
    %mul3A_35 = vector.broadcast %sqrt3A : vector<1024x1xf32> to vector<1024x128xf32>
    %mul3A_36 = vector.broadcast %get3A_34 : vector<1x128xf32> to vector<1024x128xf32>
    %mul3A_37 = arith.mulf %mul3A_35, %mul3A_36 : vector<1024x128xf32>
    %add3A = arith.addf %get3A_22, %mul3A_37 : vector<1024x128xf32>
    %get3A_38 = arith.constant 0 : index
    %get3A_39 = arith.constant 0 : index
    %get3A_40 = vector.load %arg9[%get3A_38, %get3A_39] : memref<1x128xf32, #tpu.memory_space<vmem>>, vector<1x128xf32>
    %add3A_41 = vector.broadcast %get3A_40 : vector<1x128xf32> to vector<1024x128xf32>
    %add3A_42 = arith.addf %add3A, %add3A_41 : vector<1024x128xf32>
    %logistic3A = arith.negf %add3A_42 : vector<1024x128xf32>
    %logistic3A_43 = math.exp %logistic3A : vector<1024x128xf32>
    %logistic3A_44 = arith.constant 1.000000e+00 : f32
    %logistic3A_45 = vector.broadcast %logistic3A_44 : f32 to vector<1024x128xf32>
    %logistic3A_46 = arith.addf %logistic3A_45, %logistic3A_43 : vector<1024x128xf32>
    %logistic3A_47 = arith.divf %logistic3A_45, %logistic3A_46 : vector<1024x128xf32>
    %mul3A_48 = arith.mulf %add3A_42, %logistic3A_47 : vector<1024x128xf32>
    %get3A_49 = arith.constant 0 : index
    %get3A_50 = arith.constant 0 : index
    %get3A_51 = vector.load %arg10[%get3A_49, %get3A_50] : memref<128x128xf32, #tpu.memory_space<vmem>>, vector<128x128xf32>
    %dot_general3A_52 = arith.constant dense<0.000000e+00> : vector<1024x128xf32>
    %dot_general3A_53 = tpu.matmul %mul3A_48, %get3A_51, %dot_general3A_52 {dimension_numbers = #tpu.dot_dimension_numbers<[1], [0], [0], [1], [0, 0, 1, 1], [], []>, transpose_lhs_hint = false} : vector<1024x128xf32>, vector<128x128xf32>, vector<1024x128xf32> -> vector<1024x128xf32>
    %get3A_54 = arith.constant 0 : index
    %get3A_55 = arith.constant 0 : index
    %get3A_56 = vector.load %arg11[%get3A_54, %get3A_55] : memref<1x128xf32, #tpu.memory_space<vmem>>, vector<1x128xf32>
    %add3A_57 = vector.broadcast %get3A_56 : vector<1x128xf32> to vector<1024x128xf32>
    %add3A_58 = arith.addf %dot_general3A_53, %add3A_57 : vector<1024x128xf32>
    %logistic3A_59 = arith.negf %add3A_58 : vector<1024x128xf32>
    %logistic3A_60 = math.exp %logistic3A_59 : vector<1024x128xf32>
    %logistic3A_61 = arith.constant 1.000000e+00 : f32
    %logistic3A_62 = vector.broadcast %logistic3A_61 : f32 to vector<1024x128xf32>
    %logistic3A_63 = arith.addf %logistic3A_62, %logistic3A_60 : vector<1024x128xf32>
    %logistic3A_64 = arith.divf %logistic3A_62, %logistic3A_63 : vector<1024x128xf32>
    %mul3A_65 = arith.mulf %add3A_58, %logistic3A_64 : vector<1024x128xf32>
    %get3A_66 = arith.constant 0 : index
    %get3A_67 = arith.constant 0 : index
    %get3A_68 = vector.load %arg12[%get3A_66, %get3A_67] : memref<128x128xf32, #tpu.memory_space<vmem>>, vector<128x128xf32>
    %dot_general3A_69 = arith.constant dense<0.000000e+00> : vector<1024x128xf32>
    %dot_general3A_70 = tpu.matmul %mul3A_65, %get3A_68, %dot_general3A_69 {dimension_numbers = #tpu.dot_dimension_numbers<[1], [0], [0], [1], [0, 0, 1, 1], [], []>, transpose_lhs_hint = false} : vector<1024x128xf32>, vector<128x128xf32>, vector<1024x128xf32> -> vector<1024x128xf32>
    %get3A_71 = arith.constant 0 : index
    %get3A_72 = arith.constant 0 : index
    %get3A_73 = vector.load %arg13[%get3A_71, %get3A_72] : memref<1x128xf32, #tpu.memory_space<vmem>>, vector<1x128xf32>
    %add3A_74 = vector.broadcast %get3A_73 : vector<1x128xf32> to vector<1024x128xf32>
    %add3A_75 = arith.addf %dot_general3A_70, %add3A_74 : vector<1024x128xf32>
    %logistic3A_76 = arith.negf %add3A_75 : vector<1024x128xf32>
    %logistic3A_77 = math.exp %logistic3A_76 : vector<1024x128xf32>
    %logistic3A_78 = arith.constant 1.000000e+00 : f32
    %logistic3A_79 = vector.broadcast %logistic3A_78 : f32 to vector<1024x128xf32>
    %logistic3A_80 = arith.addf %logistic3A_79, %logistic3A_77 : vector<1024x128xf32>
    %logistic3A_81 = arith.divf %logistic3A_79, %logistic3A_80 : vector<1024x128xf32>
    %mul3A_82 = arith.mulf %add3A_75, %logistic3A_81 : vector<1024x128xf32>
    %get3A_83 = arith.constant 0 : index
    %get3A_84 = arith.constant 0 : index
    %get3A_85 = vector.load %arg14[%get3A_83, %get3A_84] : memref<1x128xf32, #tpu.memory_space<vmem>>, vector<1x128xf32>
    %mul3A_86 = vector.broadcast %get3A_85 : vector<1x128xf32> to vector<1024x128xf32>
    %mul3A_87 = arith.mulf %mul3A_82, %mul3A_86 : vector<1024x128xf32>
    %reduce_sum3A_88 = arith.constant dense<0.000000e+00> : vector<1024xf32>
    %reduce_sum3A_89 = vector.multi_reduction <add>, %mul3A_87, %reduce_sum3A_88 [1] : vector<1024x128xf32> to vector<1024xf32>
    %broadcast_in_dim3A_90 = vector.shape_cast %reduce_sum3A_89 : vector<1024xf32> to vector<1024x1xf32>
    %mul3A_91 = vector.broadcast %get3A_16 : vector<1024x1xf32> to vector<1024x128xf32>
    %mul3A_92 = arith.mulf %mul3A_65, %mul3A_91 : vector<1024x128xf32>
    %dot_general3A_93 = arith.constant dense<0.000000e+00> : vector<64x128xf32>
    %dot_general3A_94 = tpu.matmul %get3A_13, %mul3A_92, %dot_general3A_93 {dimension_numbers = #tpu.dot_dimension_numbers<[1], [0], [0], [1], [0, 0, 1, 1], [], []>, transpose_lhs_hint = false} : vector<64x1024xf32>, vector<1024x128xf32>, vector<64x128xf32> -> vector<64x128xf32>
    %mul3A_95 = arith.mulf %broadcast_in_dim3A_90, %get3A_16 : vector<1024x1xf32>
    %mul3A_96 = vector.broadcast %mul3A_95 : vector<1024x1xf32> to vector<1024x3xf32>
    %mul3A_97 = arith.mulf %sub3A, %mul3A_96 : vector<1024x3xf32>
    %dot_general3A_98 = arith.constant dense<0.000000e+00> : vector<64x3xf32>
    %dot_general3A_99 = tpu.matmul %get3A_13, %mul3A_97, %dot_general3A_98 {dimension_numbers = #tpu.dot_dimension_numbers<[1], [0], [0], [1], [0, 0, 1, 1], [], []>, transpose_lhs_hint = false} : vector<64x1024xf32>, vector<1024x3xf32>, vector<64x3xf32> -> vector<64x3xf32>
    %div3A = vector.broadcast %get3A_19 : vector<64x1xf32> to vector<64x3xf32>
    %div3A_100 = arith.divf %dot_general3A_99, %div3A : vector<64x3xf32>
    %add3A_101 = arith.addf %get3A_27, %div3A_100 : vector<64x3xf32>
    %swap3A = arith.constant 0 : index
    %swap3A_102 = arith.constant 0 : index
    %swap3A_103 = arith.constant 0 : index
    %swap3A_104 = vector.load %arg20[%swap3A, %swap3A_102, %swap3A_103] : memref<8x64x3xf32, #tpu.memory_space<vmem>>, vector<1x64x3xf32>
    %swap3A_105 = vector.shape_cast %swap3A_104 : vector<1x64x3xf32> to vector<64x3xf32>
    %swap3A_106 = vector.shape_cast %add3A_101 : vector<64x3xf32> to vector<1x64x3xf32>
    tpu.vector_store %arg20[%swap3A, %swap3A_102, %swap3A_103], %swap3A_106 {strides = array<i32>} : memref<8x64x3xf32, #tpu.memory_space<vmem>>, vector<1x64x3xf32>,
    %get3A_107 = arith.constant 0 : index
    %get3A_108 = arith.constant 0 : index
    %get3A_109 = arith.constant 0 : index
    %get3A_110 = vector.load %arg7[%get3A_107, %get3A_108, %get3A_109] : memref<8x64x256xf32, #tpu.memory_space<vmem>>, vector<1x64x256xf32>
    %get3A_111 = vector.shape_cast %get3A_110 : vector<1x64x256xf32> to vector<64x256xf32>
    %get3A_112 = arith.constant 0 : index
    %get3A_113 = arith.constant 0 : index
    %get3A_114 = vector.load %arg15[%get3A_112, %get3A_113] : memref<256x128xf32, #tpu.memory_space<vmem>>, vector<256x128xf32>
    %dot_general3A_115 = arith.constant dense<0.000000e+00> : vector<64x128xf32>
    %dot_general3A_116 = tpu.matmul %get3A_111, %get3A_114, %dot_general3A_115 {dimension_numbers = #tpu.dot_dimension_numbers<[1], [0], [0], [1], [0, 0, 1, 1], [], []>, transpose_lhs_hint = false} : vector<64x256xf32>, vector<256x128xf32>, vector<64x128xf32> -> vector<64x128xf32>
    %get3A_117 = arith.constant 0 : index
    %get3A_118 = arith.constant 0 : index
    %get3A_119 = vector.load %arg16[%get3A_117, %get3A_118] : memref<128x128xf32, #tpu.memory_space<vmem>>, vector<128x128xf32>
    %dot_general3A_120 = arith.constant dense<0.000000e+00> : vector<64x128xf32>
    %dot_general3A_121 = tpu.matmul %dot_general3A_94, %get3A_119, %dot_general3A_120 {dimension_numbers = #tpu.dot_dimension_numbers<[1], [0], [0], [1], [0, 0, 1, 1], [], []>, transpose_lhs_hint = false} : vector<64x128xf32>, vector<128x128xf32>, vector<64x128xf32> -> vector<64x128xf32>
    %add3A_122 = arith.addf %dot_general3A_116, %dot_general3A_121 : vector<64x128xf32>
    %get3A_123 = arith.constant 0 : index
    %get3A_124 = arith.constant 0 : index
    %get3A_125 = vector.load %arg17[%get3A_123, %get3A_124] : memref<1x128xf32, #tpu.memory_space<vmem>>, vector<1x128xf32>
    %add3A_126 = vector.broadcast %get3A_125 : vector<1x128xf32> to vector<64x128xf32>
    %add3A_127 = arith.addf %add3A_122, %add3A_126 : vector<64x128xf32>
    %logistic3A_128 = arith.negf %add3A_127 : vector<64x128xf32>
    %logistic3A_129 = math.exp %logistic3A_128 : vector<64x128xf32>
    %logistic3A_130 = arith.constant 1.000000e+00 : f32
    %logistic3A_131 = vector.broadcast %logistic3A_130 : f32 to vector<64x128xf32>
    %logistic3A_132 = arith.addf %logistic3A_131, %logistic3A_129 : vector<64x128xf32>
    %logistic3A_133 = arith.divf %logistic3A_131, %logistic3A_132 : vector<64x128xf32>
    %mul3A_134 = arith.mulf %add3A_127, %logistic3A_133 : vector<64x128xf32>
    %get3A_135 = arith.constant 0 : index
    %get3A_136 = arith.constant 0 : index
    %get3A_137 = vector.load %arg18[%get3A_135, %get3A_136] : memref<128x256xf32, #tpu.memory_space<vmem>>, vector<128x256xf32>
    %dot_general3A_138 = arith.constant dense<0.000000e+00> : vector<64x256xf32>
    %dot_general3A_139 = tpu.matmul %mul3A_134, %get3A_137, %dot_general3A_138 {dimension_numbers = #tpu.dot_dimension_numbers<[1], [0], [0], [1], [0, 0, 1, 1], [], []>, transpose_lhs_hint = false} : vector<64x128xf32>, vector<128x256xf32>, vector<64x256xf32> -> vector<64x256xf32>
    %get3A_140 = arith.constant 0 : index
    %get3A_141 = arith.constant 0 : index
    %get3A_142 = vector.load %arg19[%get3A_140, %get3A_141] : memref<1x256xf32, #tpu.memory_space<vmem>>, vector<1x256xf32>
    %add3A_143 = vector.broadcast %get3A_142 : vector<1x256xf32> to vector<64x256xf32>
    %add3A_144 = arith.addf %dot_general3A_139, %add3A_143 : vector<64x256xf32>
    %swap3A_145 = arith.constant 0 : index
    %swap3A_146 = arith.constant 0 : index
    %swap3A_147 = arith.constant 0 : index
    %swap3A_148 = vector.load %arg21[%swap3A_145, %swap3A_146, %swap3A_147] : memref<8x64x256xf32, #tpu.memory_space<vmem>>, vector<1x64x256xf32>
    %swap3A_149 = vector.shape_cast %swap3A_148 : vector<1x64x256xf32> to vector<64x256xf32>
    %swap3A_150 = vector.shape_cast %add3A_144 : vector<64x256xf32> to vector<1x64x256xf32>
    tpu.vector_store %arg21[%swap3A_145, %swap3A_146, %swap3A_147], %swap3A_150 {strides = array<i32>} : memref<8x64x256xf32, #tpu.memory_space<vmem>>, vector<1x64x256xf32>,
    %get3A_151 = arith.constant 1024 : index
    %get3A_152 = arith.constant 0 : index
    %get3A_153 = vector.load %arg0[%get3A_151, %get3A_152] : memref<8192x128xf32, #tpu.memory_space<vmem>>, vector<1024x128xf32>
    %get3A_154 = arith.constant 1 : index
    %get3A_155 = arith.constant 0 : index
    %get3A_156 = arith.constant 0 : index
    %get3A_157 = vector.load %arg6[%get3A_154, %get3A_155, %get3A_156] : memref<8x64x3xf32, #tpu.memory_space<vmem>>, vector<1x64x3xf32>
    %get3A_158 = vector.shape_cast %get3A_157 : vector<1x64x3xf32> to vector<64x3xf32>
    %dot_general3A_159 = arith.constant dense<0.000000e+00> : vector<1024x3xf32>
    %dot_general3A_160 = tpu.matmul %convert_element_type3A_3, %get3A_158, %dot_general3A_159 {dimension_numbers = #tpu.dot_dimension_numbers<[1], [0], [0], [1], [0, 0, 1, 1], [], []>, transpose_lhs_hint = false} : vector<1024x64xf32>, vector<64x3xf32>, vector<1024x3xf32> -> vector<1024x3xf32>
    %dot_general3A_161 = arith.constant dense<0.000000e+00> : vector<1024x3xf32>
    %dot_general3A_162 = tpu.matmul %convert_element_type3A_10, %get3A_158, %dot_general3A_161 {dimension_numbers = #tpu.dot_dimension_numbers<[1], [0], [0], [1], [0, 0, 1, 1], [], []>, transpose_lhs_hint = false} : vector<1024x64xf32>, vector<64x3xf32>, vector<1024x3xf32> -> vector<1024x3xf32>
    %sub3A_163 = arith.subf %dot_general3A_160, %dot_general3A_162 : vector<1024x3xf32>
    %mul3A_164 = arith.mulf %sub3A_163, %sub3A_163 : vector<1024x3xf32>
    %reduce_sum3A_165 = arith.constant dense<0.000000e+00> : vector<1024xf32>
    %reduce_sum3A_166 = vector.multi_reduction <add>, %mul3A_164, %reduce_sum3A_165 [1] : vector<1024x3xf32> to vector<1024xf32>
    %broadcast_in_dim3A_167 = vector.shape_cast %reduce_sum3A_166 : vector<1024xf32> to vector<1024x1xf32>
    %sqrt3A_168 = math.sqrt %broadcast_in_dim3A_167 : vector<1024x1xf32>
    %get3A_169 = arith.constant 0 : index
    %get3A_170 = arith.constant 0 : index
    %get3A_171 = vector.load %arg8[%get3A_169, %get3A_170] : memref<1x128xf32, #tpu.memory_space<vmem>>, vector<1x128xf32>
    %mul3A_172 = vector.broadcast %sqrt3A_168 : vector<1024x1xf32> to vector<1024x128xf32>
    %mul3A_173 = vector.broadcast %get3A_171 : vector<1x128xf32> to vector<1024x128xf32>
    %mul3A_174 = arith.mulf %mul3A_172, %mul3A_173 : vector<1024x128xf32>
    %add3A_175 = arith.addf %get3A_153, %mul3A_174 : vector<1024x128xf32>
    %get3A_176 = arith.constant 0 : index
    %get3A_177 = arith.constant 0 : index
    %get3A_178 = vector.load %arg9[%get3A_176, %get3A_177] : memref<1x128xf32, #tpu.memory_space<vmem>>, vector<1x128xf32>
    %add3A_179 = vector.broadcast %get3A_178 : vector<1x128xf32> to vector<1024x128xf32>
    %add3A_180 = arith.addf %add3A_175, %add3A_179 : vector<1024x128xf32>
    %logistic3A_181 = arith.negf %add3A_180 : vector<1024x128xf32>
    %logistic3A_182 = math.exp %logistic3A_181 : vector<1024x128xf32>
    %logistic3A_183 = arith.constant 1.000000e+00 : f32
    %logistic3A_184 = vector.broadcast %logistic3A_183 : f32 to vector<1024x128xf32>
    %logistic3A_185 = arith.addf %logistic3A_184, %logistic3A_182 : vector<1024x128xf32>
    %logistic3A_186 = arith.divf %logistic3A_184, %logistic3A_185 : vector<1024x128xf32>
    %mul3A_187 = arith.mulf %add3A_180, %logistic3A_186 : vector<1024x128xf32>
    %get3A_188 = arith.constant 0 : index
    %get3A_189 = arith.constant 0 : index
    %get3A_190 = vector.load %arg10[%get3A_188, %get3A_189] : memref<128x128xf32, #tpu.memory_space<vmem>>, vector<128x128xf32>
    %dot_general3A_191 = arith.constant dense<0.000000e+00> : vector<1024x128xf32>
    %dot_general3A_192 = tpu.matmul %mul3A_187, %get3A_190, %dot_general3A_191 {dimension_numbers = #tpu.dot_dimension_numbers<[1], [0], [0], [1], [0, 0, 1, 1], [], []>, transpose_lhs_hint = false} : vector<1024x128xf32>, vector<128x128xf32>, vector<1024x128xf32> -> vector<1024x128xf32>
    %get3A_193 = arith.constant 0 : index
    %get3A_194 = arith.constant 0 : index
    %get3A_195 = vector.load %arg11[%get3A_193, %get3A_194] : memref<1x128xf32, #tpu.memory_space<vmem>>, vector<1x128xf32>
    %add3A_196 = vector.broadcast %get3A_195 : vector<1x128xf32> to vector<1024x128xf32>
    %add3A_197 = arith.addf %dot_general3A_192, %add3A_196 : vector<1024x128xf32>
    %logistic3A_198 = arith.negf %add3A_197 : vector<1024x128xf32>
    %logistic3A_199 = math.exp %logistic3A_198 : vector<1024x128xf32>
    %logistic3A_200 = arith.constant 1.000000e+00 : f32
    %logistic3A_201 = vector.broadcast %logistic3A_200 : f32 to vector<1024x128xf32>
    %logistic3A_202 = arith.addf %logistic3A_201, %logistic3A_199 : vector<1024x128xf32>
    %logistic3A_203 = arith.divf %logistic3A_201, %logistic3A_202 : vector<1024x128xf32>
    %mul3A_204 = arith.mulf %add3A_197, %logistic3A_203 : vector<1024x128xf32>
    %get3A_205 = arith.constant 0 : index
    %get3A_206 = arith.constant 0 : index
    %get3A_207 = vector.load %arg12[%get3A_205, %get3A_206] : memref<128x128xf32, #tpu.memory_space<vmem>>, vector<128x128xf32>
    %dot_general3A_208 = arith.constant dense<0.000000e+00> : vector<1024x128xf32>
    %dot_general3A_209 = tpu.matmul %mul3A_204, %get3A_207, %dot_general3A_208 {dimension_numbers = #tpu.dot_dimension_numbers<[1], [0], [0], [1], [0, 0, 1, 1], [], []>, transpose_lhs_hint = false} : vector<1024x128xf32>, vector<128x128xf32>, vector<1024x128xf32> -> vector<1024x128xf32>
    %get3A_210 = arith.constant 0 : index
    %get3A_211 = arith.constant 0 : index
    %get3A_212 = vector.load %arg13[%get3A_210, %get3A_211] : memref<1x128xf32, #tpu.memory_space<vmem>>, vector<1x128xf32>
    %add3A_213 = vector.broadcast %get3A_212 : vector<1x128xf32> to vector<1024x128xf32>
    %add3A_214 = arith.addf %dot_general3A_209, %add3A_213 : vector<1024x128xf32>
    %logistic3A_215 = arith.negf %add3A_214 : vector<1024x128xf32>
    %logistic3A_216 = math.exp %logistic3A_215 : vector<1024x128xf32>
    %logistic3A_217 = arith.constant 1.000000e+00 : f32
    %logistic3A_218 = vector.broadcast %logistic3A_217 : f32 to vector<1024x128xf32>
    %logistic3A_219 = arith.addf %logistic3A_218, %logistic3A_216 : vector<1024x128xf32>
    %logistic3A_220 = arith.divf %logistic3A_218, %logistic3A_219 : vector<1024x128xf32>
    %mul3A_221 = arith.mulf %add3A_214, %logistic3A_220 : vector<1024x128xf32>
    %get3A_222 = arith.constant 0 : index
    %get3A_223 = arith.constant 0 : index
    %get3A_224 = vector.load %arg14[%get3A_222, %get3A_223] : memref<1x128xf32, #tpu.memory_space<vmem>>, vector<1x128xf32>
    %mul3A_225 = vector.broadcast %get3A_224 : vector<1x128xf32> to vector<1024x128xf32>
    %mul3A_226 = arith.mulf %mul3A_221, %mul3A_225 : vector<1024x128xf32>
    %reduce_sum3A_227 = arith.constant dense<0.000000e+00> : vector<1024xf32>
    %reduce_sum3A_228 = vector.multi_reduction <add>, %mul3A_226, %reduce_sum3A_227 [1] : vector<1024x128xf32> to vector<1024xf32>
    %broadcast_in_dim3A_229 = vector.shape_cast %reduce_sum3A_228 : vector<1024xf32> to vector<1024x1xf32>
    %mul3A_230 = vector.broadcast %get3A_16 : vector<1024x1xf32> to vector<1024x128xf32>
    %mul3A_231 = arith.mulf %mul3A_204, %mul3A_230 : vector<1024x128xf32>
    %dot_general3A_232 = arith.constant dense<0.000000e+00> : vector<64x128xf32>
    %dot_general3A_233 = tpu.matmul %get3A_13, %mul3A_231, %dot_general3A_232 {dimension_numbers = #tpu.dot_dimension_numbers<[1], [0], [0], [1], [0, 0, 1, 1], [], []>, transpose_lhs_hint = false} : vector<64x1024xf32>, vector<1024x128xf32>, vector<64x128xf32> -> vector<64x128xf32>
    %mul3A_234 = arith.mulf %broadcast_in_dim3A_229, %get3A_16 : vector<1024x1xf32>
    %mul3A_235 = vector.broadcast %mul3A_234 : vector<1024x1xf32> to vector<1024x3xf32>
    %mul3A_236 = arith.mulf %sub3A_163, %mul3A_235 : vector<1024x3xf32>
    %dot_general3A_237 = arith.constant dense<0.000000e+00> : vector<64x3xf32>
    %dot_general3A_238 = tpu.matmul %get3A_13, %mul3A_236, %dot_general3A_237 {dimension_numbers = #tpu.dot_dimension_numbers<[1], [0], [0], [1], [0, 0, 1, 1], [], []>, transpose_lhs_hint = false} : vector<64x1024xf32>, vector<1024x3xf32>, vector<64x3xf32> -> vector<64x3xf32>
    %div3A_239 = vector.broadcast %get3A_19 : vector<64x1xf32> to vector<64x3xf32>
    %div3A_240 = arith.divf %dot_general3A_238, %div3A_239 : vector<64x3xf32>
    %add3A_241 = arith.addf %get3A_158, %div3A_240 : vector<64x3xf32>
    %swap3A_242 = arith.constant 1 : index
    %swap3A_243 = arith.constant 0 : index
    %swap3A_244 = arith.constant 0 : index
    %swap3A_245 = vector.load %arg20[%swap3A_242, %swap3A_243, %swap3A_244] : memref<8x64x3xf32, #tpu.memory_space<vmem>>, vector<1x64x3xf32>
    %swap3A_246 = vector.shape_cast %swap3A_245 : vector<1x64x3xf32> to vector<64x3xf32>
    %swap3A_247 = vector.shape_cast %add3A_241 : vector<64x3xf32> to vector<1x64x3xf32>
    tpu.vector_store %arg20[%swap3A_242, %swap3A_243, %swap3A_244], %swap3A_247 {strides = array<i32>} : memref<8x64x3xf32, #tpu.memory_space<vmem>>, vector<1x64x3xf32>,
    %get3A_248 = arith.constant 1 : index
    %get3A_249 = arith.constant 0 : index
    %get3A_250 = arith.constant 0 : index
    %get3A_251 = vector.load %arg7[%get3A_248, %get3A_249, %get3A_250] : memref<8x64x256xf32, #tpu.memory_space<vmem>>, vector<1x64x256xf32>
    %get3A_252 = vector.shape_cast %get3A_251 : vector<1x64x256xf32> to vector<64x256xf32>
    %get3A_253 = arith.constant 0 : index
    %get3A_254 = arith.constant 0 : index
    %get3A_255 = vector.load %arg15[%get3A_253, %get3A_254] : memref<256x128xf32, #tpu.memory_space<vmem>>, vector<256x128xf32>
    %dot_general3A_256 = arith.constant dense<0.000000e+00> : vector<64x128xf32>
    %dot_general3A_257 = tpu.matmul %get3A_252, %get3A_255, %dot_general3A_256 {dimension_numbers = #tpu.dot_dimension_numbers<[1], [0], [0], [1], [0, 0, 1, 1], [], []>, transpose_lhs_hint = false} : vector<64x256xf32>, vector<256x128xf32>, vector<64x128xf32> -> vector<64x128xf32>
    %get3A_258 = arith.constant 0 : index
    %get3A_259 = arith.constant 0 : index
    %get3A_260 = vector.load %arg16[%get3A_258, %get3A_259] : memref<128x128xf32, #tpu.memory_space<vmem>>, vector<128x128xf32>
    %dot_general3A_261 = arith.constant dense<0.000000e+00> : vector<64x128xf32>
    %dot_general3A_262 = tpu.matmul %dot_general3A_233, %get3A_260, %dot_general3A_261 {dimension_numbers = #tpu.dot_dimension_numbers<[1], [0], [0], [1], [0, 0, 1, 1], [], []>, transpose_lhs_hint = false} : vector<64x128xf32>, vector<128x128xf32>, vector<64x128xf32> -> vector<64x128xf32>
    %add3A_263 = arith.addf %dot_general3A_257, %dot_general3A_262 : vector<64x128xf32>
    %get3A_264 = arith.constant 0 : index
    %get3A_265 = arith.constant 0 : index
    %get3A_266 = vector.load %arg17[%get3A_264, %get3A_265] : memref<1x128xf32, #tpu.memory_space<vmem>>, vector<1x128xf32>
    %add3A_267 = vector.broadcast %get3A_266 : vector<1x128xf32> to vector<64x128xf32>
    %add3A_268 = arith.addf %add3A_263, %add3A_267 : vector<64x128xf32>
    %logistic3A_269 = arith.negf %add3A_268 : vector<64x128xf32>
    %logistic3A_270 = math.exp %logistic3A_269 : vector<64x128xf32>
    %logistic3A_271 = arith.constant 1.000000e+00 : f32
    %logistic3A_272 = vector.broadcast %logistic3A_271 : f32 to vector<64x128xf32>
    %logistic3A_273 = arith.addf %logistic3A_272, %logistic3A_270 : vector<64x128xf32>
    %logistic3A_274 = arith.divf %logistic3A_272, %logistic3A_273 : vector<64x128xf32>
    %mul3A_275 = arith.mulf %add3A_268, %logistic3A_274 : vector<64x128xf32>
    %get3A_276 = arith.constant 0 : index
    %get3A_277 = arith.constant 0 : index
    %get3A_278 = vector.load %arg18[%get3A_276, %get3A_277] : memref<128x256xf32, #tpu.memory_space<vmem>>, vector<128x256xf32>
    %dot_general3A_279 = arith.constant dense<0.000000e+00> : vector<64x256xf32>
    %dot_general3A_280 = tpu.matmul %mul3A_275, %get3A_278, %dot_general3A_279 {dimension_numbers = #tpu.dot_dimension_numbers<[1], [0], [0], [1], [0, 0, 1, 1], [], []>, transpose_lhs_hint = false} : vector<64x128xf32>, vector<128x256xf32>, vector<64x256xf32> -> vector<64x256xf32>
    %get3A_281 = arith.constant 0 : index
    %get3A_282 = arith.constant 0 : index
    %get3A_283 = vector.load %arg19[%get3A_281, %get3A_282] : memref<1x256xf32, #tpu.memory_space<vmem>>, vector<1x256xf32>
    %add3A_284 = vector.broadcast %get3A_283 : vector<1x256xf32> to vector<64x256xf32>
    %add3A_285 = arith.addf %dot_general3A_280, %add3A_284 : vector<64x256xf32>
    %swap3A_286 = arith.constant 1 : index
    %swap3A_287 = arith.constant 0 : index
    %swap3A_288 = arith.constant 0 : index
    %swap3A_289 = vector.load %arg21[%swap3A_286, %swap3A_287, %swap3A_288] : memref<8x64x256xf32, #tpu.memory_space<vmem>>, vector<1x64x256xf32>
    %swap3A_290 = vector.shape_cast %swap3A_289 : vector<1x64x256xf32> to vector<64x256xf32>
    %swap3A_291 = vector.shape_cast %add3A_285 : vector<64x256xf32> to vector<1x64x256xf32>
    tpu.vector_store %arg21[%swap3A_286, %swap3A_287, %swap3A_288], %swap3A_291 {strides = array<i32>} : memref<8x64x256xf32, #tpu.memory_space<vmem>>, vector<1x64x256xf32>,
    %get3A_292 = arith.constant 2048 : index
    %get3A_293 = arith.constant 0 : index
    %get3A_294 = vector.load %arg0[%get3A_292, %get3A_293] : memref<8192x128xf32, #tpu.memory_space<vmem>>, vector<1024x128xf32>
    %get3A_295 = arith.constant 2 : index
    %get3A_296 = arith.constant 0 : index
    %get3A_297 = arith.constant 0 : index
    %get3A_298 = vector.load %arg6[%get3A_295, %get3A_296, %get3A_297] : memref<8x64x3xf32, #tpu.memory_space<vmem>>, vector<1x64x3xf32>
    %get3A_299 = vector.shape_cast %get3A_298 : vector<1x64x3xf32> to vector<64x3xf32>
    %dot_general3A_300 = arith.constant dense<0.000000e+00> : vector<1024x3xf32>
    %dot_general3A_301 = tpu.matmul %convert_element_type3A_3, %get3A_299, %dot_general3A_300 {dimension_numbers = #tpu.dot_dimension_numbers<[1], [0], [0], [1], [0, 0, 1, 1], [], []>, transpose_lhs_hint = false} : vector<1024x64xf32>, vector<64x3xf32>, vector<1024x3xf32> -> vector<1024x3xf32>
    %dot_general3A_302 = arith.constant dense<0.000000e+00> : vector<1024x3xf32>
    %dot_general3A_303 = tpu.matmul %convert_element_type3A_10, %get3A_299, %dot_general3A_302 {dimension_numbers = #tpu.dot_dimension_numbers<[1], [0], [0], [1], [0, 0, 1, 1], [], []>, transpose_lhs_hint = false} : vector<1024x64xf32>, vector<64x3xf32>, vector<1024x3xf32> -> vector<1024x3xf32>
    %sub3A_304 = arith.subf %dot_general3A_301, %dot_general3A_303 : vector<1024x3xf32>
    %mul3A_305 = arith.mulf %sub3A_304, %sub3A_304 : vector<1024x3xf32>
    %reduce_sum3A_306 = arith.constant dense<0.000000e+00> : vector<1024xf32>
    %reduce_sum3A_307 = vector.multi_reduction <add>, %mul3A_305, %reduce_sum3A_306 [1] : vector<1024x3xf32> to vector<1024xf32>
    %broadcast_in_dim3A_308 = vector.shape_cast %reduce_sum3A_307 : vector<1024xf32> to vector<1024x1xf32>
    %sqrt3A_309 = math.sqrt %broadcast_in_dim3A_308 : vector<1024x1xf32>
    %get3A_310 = arith.constant 0 : index
    %get3A_311 = arith.constant 0 : index
    %get3A_312 = vector.load %arg8[%get3A_310, %get3A_311] : memref<1x128xf32, #tpu.memory_space<vmem>>, vector<1x128xf32>
    %mul3A_313 = vector.broadcast %sqrt3A_309 : vector<1024x1xf32> to vector<1024x128xf32>
    %mul3A_314 = vector.broadcast %get3A_312 : vector<1x128xf32> to vector<1024x128xf32>
    %mul3A_315 = arith.mulf %mul3A_313, %mul3A_314 : vector<1024x128xf32>
    %add3A_316 = arith.addf %get3A_294, %mul3A_315 : vector<1024x128xf32>
    %get3A_317 = arith.constant 0 : index
    %get3A_318 = arith.constant 0 : index
    %get3A_319 = vector.load %arg9[%get3A_317, %get3A_318] : memref<1x128xf32, #tpu.memory_space<vmem>>, vector<1x128xf32>
    %add3A_320 = vector.broadcast %get3A_319 : vector<1x128xf32> to vector<1024x128xf32>
    %add3A_321 = arith.addf %add3A_316, %add3A_320 : vector<1024x128xf32>
    %logistic3A_322 = arith.negf %add3A_321 : vector<1024x128xf32>
    %logistic3A_323 = math.exp %logistic3A_322 : vector<1024x128xf32>
    %logistic3A_324 = arith.constant 1.000000e+00 : f32
    %logistic3A_325 = vector.broadcast %logistic3A_324 : f32 to vector<1024x128xf32>
    %logistic3A_326 = arith.addf %logistic3A_325, %logistic3A_323 : vector<1024x128xf32>
    %logistic3A_327 = arith.divf %logistic3A_325, %logistic3A_326 : vector<1024x128xf32>
    %mul3A_328 = arith.mulf %add3A_321, %logistic3A_327 : vector<1024x128xf32>
    %get3A_329 = arith.constant 0 : index
    %get3A_330 = arith.constant 0 : index
    %get3A_331 = vector.load %arg10[%get3A_329, %get3A_330] : memref<128x128xf32, #tpu.memory_space<vmem>>, vector<128x128xf32>
    %dot_general3A_332 = arith.constant dense<0.000000e+00> : vector<1024x128xf32>
    %dot_general3A_333 = tpu.matmul %mul3A_328, %get3A_331, %dot_general3A_332 {dimension_numbers = #tpu.dot_dimension_numbers<[1], [0], [0], [1], [0, 0, 1, 1], [], []>, transpose_lhs_hint = false} : vector<1024x128xf32>, vector<128x128xf32>, vector<1024x128xf32> -> vector<1024x128xf32>
    %get3A_334 = arith.constant 0 : index
    %get3A_335 = arith.constant 0 : index
    %get3A_336 = vector.load %arg11[%get3A_334, %get3A_335] : memref<1x128xf32, #tpu.memory_space<vmem>>, vector<1x128xf32>
    %add3A_337 = vector.broadcast %get3A_336 : vector<1x128xf32> to vector<1024x128xf32>
    %add3A_338 = arith.addf %dot_general3A_333, %add3A_337 : vector<1024x128xf32>
    %logistic3A_339 = arith.negf %add3A_338 : vector<1024x128xf32>
    %logistic3A_340 = math.exp %logistic3A_339 : vector<1024x128xf32>
    %logistic3A_341 = arith.constant 1.000000e+00 : f32
    %logistic3A_342 = vector.broadcast %logistic3A_341 : f32 to vector<1024x128xf32>
    %logistic3A_343 = arith.addf %logistic3A_342, %logistic3A_340 : vector<1024x128xf32>
    %logistic3A_344 = arith.divf %logistic3A_342, %logistic3A_343 : vector<1024x128xf32>
    %mul3A_345 = arith.mulf %add3A_338, %logistic3A_344 : vector<1024x128xf32>
    %get3A_346 = arith.constant 0 : index
    %get3A_347 = arith.constant 0 : index
    %get3A_348 = vector.load %arg12[%get3A_346, %get3A_347] : memref<128x128xf32, #tpu.memory_space<vmem>>, vector<128x128xf32>
    %dot_general3A_349 = arith.constant dense<0.000000e+00> : vector<1024x128xf32>
    %dot_general3A_350 = tpu.matmul %mul3A_345, %get3A_348, %dot_general3A_349 {dimension_numbers = #tpu.dot_dimension_numbers<[1], [0], [0], [1], [0, 0, 1, 1], [], []>, transpose_lhs_hint = false} : vector<1024x128xf32>, vector<128x128xf32>, vector<1024x128xf32> -> vector<1024x128xf32>
    %get3A_351 = arith.constant 0 : index
    %get3A_352 = arith.constant 0 : index
    %get3A_353 = vector.load %arg13[%get3A_351, %get3A_352] : memref<1x128xf32, #tpu.memory_space<vmem>>, vector<1x128xf32>
    %add3A_354 = vector.broadcast %get3A_353 : vector<1x128xf32> to vector<1024x128xf32>
    %add3A_355 = arith.addf %dot_general3A_350, %add3A_354 : vector<1024x128xf32>
    %logistic3A_356 = arith.negf %add3A_355 : vector<1024x128xf32>
    %logistic3A_357 = math.exp %logistic3A_356 : vector<1024x128xf32>
    %logistic3A_358 = arith.constant 1.000000e+00 : f32
    %logistic3A_359 = vector.broadcast %logistic3A_358 : f32 to vector<1024x128xf32>
    %logistic3A_360 = arith.addf %logistic3A_359, %logistic3A_357 : vector<1024x128xf32>
    %logistic3A_361 = arith.divf %logistic3A_359, %logistic3A_360 : vector<1024x128xf32>
    %mul3A_362 = arith.mulf %add3A_355, %logistic3A_361 : vector<1024x128xf32>
    %get3A_363 = arith.constant 0 : index
    %get3A_364 = arith.constant 0 : index
    %get3A_365 = vector.load %arg14[%get3A_363, %get3A_364] : memref<1x128xf32, #tpu.memory_space<vmem>>, vector<1x128xf32>
    %mul3A_366 = vector.broadcast %get3A_365 : vector<1x128xf32> to vector<1024x128xf32>
    %mul3A_367 = arith.mulf %mul3A_362, %mul3A_366 : vector<1024x128xf32>
    %reduce_sum3A_368 = arith.constant dense<0.000000e+00> : vector<1024xf32>
    %reduce_sum3A_369 = vector.multi_reduction <add>, %mul3A_367, %reduce_sum3A_368 [1] : vector<1024x128xf32> to vector<1024xf32>
    %broadcast_in_dim3A_370 = vector.shape_cast %reduce_sum3A_369 : vector<1024xf32> to vector<1024x1xf32>
    %mul3A_371 = vector.broadcast %get3A_16 : vector<1024x1xf32> to vector<1024x128xf32>
    %mul3A_372 = arith.mulf %mul3A_345, %mul3A_371 : vector<1024x128xf32>
    %dot_general3A_373 = arith.constant dense<0.000000e+00> : vector<64x128xf32>
    %dot_general3A_374 = tpu.matmul %get3A_13, %mul3A_372, %dot_general3A_373 {dimension_numbers = #tpu.dot_dimension_numbers<[1], [0], [0], [1], [0, 0, 1, 1], [], []>, transpose_lhs_hint = false} : vector<64x1024xf32>, vector<1024x128xf32>, vector<64x128xf32> -> vector<64x128xf32>
    %mul3A_375 = arith.mulf %broadcast_in_dim3A_370, %get3A_16 : vector<1024x1xf32>
    %mul3A_376 = vector.broadcast %mul3A_375 : vector<1024x1xf32> to vector<1024x3xf32>
    %mul3A_377 = arith.mulf %sub3A_304, %mul3A_376 : vector<1024x3xf32>
    %dot_general3A_378 = arith.constant dense<0.000000e+00> : vector<64x3xf32>
    %dot_general3A_379 = tpu.matmul %get3A_13, %mul3A_377, %dot_general3A_378 {dimension_numbers = #tpu.dot_dimension_numbers<[1], [0], [0], [1], [0, 0, 1, 1], [], []>, transpose_lhs_hint = false} : vector<64x1024xf32>, vector<1024x3xf32>, vector<64x3xf32> -> vector<64x3xf32>
    %div3A_380 = vector.broadcast %get3A_19 : vector<64x1xf32> to vector<64x3xf32>
    %div3A_381 = arith.divf %dot_general3A_379, %div3A_380 : vector<64x3xf32>
    %add3A_382 = arith.addf %get3A_299, %div3A_381 : vector<64x3xf32>
    %swap3A_383 = arith.constant 2 : index
    %swap3A_384 = arith.constant 0 : index
    %swap3A_385 = arith.constant 0 : index
    %swap3A_386 = vector.load %arg20[%swap3A_383, %swap3A_384, %swap3A_385] : memref<8x64x3xf32, #tpu.memory_space<vmem>>, vector<1x64x3xf32>
    %swap3A_387 = vector.shape_cast %swap3A_386 : vector<1x64x3xf32> to vector<64x3xf32>
    %swap3A_388 = vector.shape_cast %add3A_382 : vector<64x3xf32> to vector<1x64x3xf32>
    tpu.vector_store %arg20[%swap3A_383, %swap3A_384, %swap3A_385], %swap3A_388 {strides = array<i32>} : memref<8x64x3xf32, #tpu.memory_space<vmem>>, vector<1x64x3xf32>,
    %get3A_389 = arith.constant 2 : index
    %get3A_390 = arith.constant 0 : index
    %get3A_391 = arith.constant 0 : index
    %get3A_392 = vector.load %arg7[%get3A_389, %get3A_390, %get3A_391] : memref<8x64x256xf32, #tpu.memory_space<vmem>>, vector<1x64x256xf32>
    %get3A_393 = vector.shape_cast %get3A_392 : vector<1x64x256xf32> to vector<64x256xf32>
    %get3A_394 = arith.constant 0 : index
    %get3A_395 = arith.constant 0 : index
    %get3A_396 = vector.load %arg15[%get3A_394, %get3A_395] : memref<256x128xf32, #tpu.memory_space<vmem>>, vector<256x128xf32>
    %dot_general3A_397 = arith.constant dense<0.000000e+00> : vector<64x128xf32>
    %dot_general3A_398 = tpu.matmul %get3A_393, %get3A_396, %dot_general3A_397 {dimension_numbers = #tpu.dot_dimension_numbers<[1], [0], [0], [1], [0, 0, 1, 1], [], []>, transpose_lhs_hint = false} : vector<64x256xf32>, vector<256x128xf32>, vector<64x128xf32> -> vector<64x128xf32>
    %get3A_399 = arith.constant 0 : index
    %get3A_400 = arith.constant 0 : index
    %get3A_401 = vector.load %arg16[%get3A_399, %get3A_400] : memref<128x128xf32, #tpu.memory_space<vmem>>, vector<128x128xf32>
    %dot_general3A_402 = arith.constant dense<0.000000e+00> : vector<64x128xf32>
    %dot_general3A_403 = tpu.matmul %dot_general3A_374, %get3A_401, %dot_general3A_402 {dimension_numbers = #tpu.dot_dimension_numbers<[1], [0], [0], [1], [0, 0, 1, 1], [], []>, transpose_lhs_hint = false} : vector<64x128xf32>, vector<128x128xf32>, vector<64x128xf32> -> vector<64x128xf32>
    %add3A_404 = arith.addf %dot_general3A_398, %dot_general3A_403 : vector<64x128xf32>
    %get3A_405 = arith.constant 0 : index
    %get3A_406 = arith.constant 0 : index
    %get3A_407 = vector.load %arg17[%get3A_405, %get3A_406] : memref<1x128xf32, #tpu.memory_space<vmem>>, vector<1x128xf32>
    %add3A_408 = vector.broadcast %get3A_407 : vector<1x128xf32> to vector<64x128xf32>
    %add3A_409 = arith.addf %add3A_404, %add3A_408 : vector<64x128xf32>
    %logistic3A_410 = arith.negf %add3A_409 : vector<64x128xf32>
    %logistic3A_411 = math.exp %logistic3A_410 : vector<64x128xf32>
    %logistic3A_412 = arith.constant 1.000000e+00 : f32
    %logistic3A_413 = vector.broadcast %logistic3A_412 : f32 to vector<64x128xf32>
    %logistic3A_414 = arith.addf %logistic3A_413, %logistic3A_411 : vector<64x128xf32>
    %logistic3A_415 = arith.divf %logistic3A_413, %logistic3A_414 : vector<64x128xf32>
    %mul3A_416 = arith.mulf %add3A_409, %logistic3A_415 : vector<64x128xf32>
    %get3A_417 = arith.constant 0 : index
    %get3A_418 = arith.constant 0 : index
    %get3A_419 = vector.load %arg18[%get3A_417, %get3A_418] : memref<128x256xf32, #tpu.memory_space<vmem>>, vector<128x256xf32>
    %dot_general3A_420 = arith.constant dense<0.000000e+00> : vector<64x256xf32>
    %dot_general3A_421 = tpu.matmul %mul3A_416, %get3A_419, %dot_general3A_420 {dimension_numbers = #tpu.dot_dimension_numbers<[1], [0], [0], [1], [0, 0, 1, 1], [], []>, transpose_lhs_hint = false} : vector<64x128xf32>, vector<128x256xf32>, vector<64x256xf32> -> vector<64x256xf32>
    %get3A_422 = arith.constant 0 : index
    %get3A_423 = arith.constant 0 : index
    %get3A_424 = vector.load %arg19[%get3A_422, %get3A_423] : memref<1x256xf32, #tpu.memory_space<vmem>>, vector<1x256xf32>
    %add3A_425 = vector.broadcast %get3A_424 : vector<1x256xf32> to vector<64x256xf32>
    %add3A_426 = arith.addf %dot_general3A_421, %add3A_425 : vector<64x256xf32>
    %swap3A_427 = arith.constant 2 : index
    %swap3A_428 = arith.constant 0 : index
    %swap3A_429 = arith.constant 0 : index
    %swap3A_430 = vector.load %arg21[%swap3A_427, %swap3A_428, %swap3A_429] : memref<8x64x256xf32, #tpu.memory_space<vmem>>, vector<1x64x256xf32>
    %swap3A_431 = vector.shape_cast %swap3A_430 : vector<1x64x256xf32> to vector<64x256xf32>
    %swap3A_432 = vector.shape_cast %add3A_426 : vector<64x256xf32> to vector<1x64x256xf32>
    tpu.vector_store %arg21[%swap3A_427, %swap3A_428, %swap3A_429], %swap3A_432 {strides = array<i32>} : memref<8x64x256xf32, #tpu.memory_space<vmem>>, vector<1x64x256xf32>,
    %get3A_433 = arith.constant 3072 : index
    %get3A_434 = arith.constant 0 : index
    %get3A_435 = vector.load %arg0[%get3A_433, %get3A_434] : memref<8192x128xf32, #tpu.memory_space<vmem>>, vector<1024x128xf32>
    %get3A_436 = arith.constant 3 : index
    %get3A_437 = arith.constant 0 : index
    %get3A_438 = arith.constant 0 : index
    %get3A_439 = vector.load %arg6[%get3A_436, %get3A_437, %get3A_438] : memref<8x64x3xf32, #tpu.memory_space<vmem>>, vector<1x64x3xf32>
    %get3A_440 = vector.shape_cast %get3A_439 : vector<1x64x3xf32> to vector<64x3xf32>
    %dot_general3A_441 = arith.constant dense<0.000000e+00> : vector<1024x3xf32>
    %dot_general3A_442 = tpu.matmul %convert_element_type3A_3, %get3A_440, %dot_general3A_441 {dimension_numbers = #tpu.dot_dimension_numbers<[1], [0], [0], [1], [0, 0, 1, 1], [], []>, transpose_lhs_hint = false} : vector<1024x64xf32>, vector<64x3xf32>, vector<1024x3xf32> -> vector<1024x3xf32>
    %dot_general3A_443 = arith.constant dense<0.000000e+00> : vector<1024x3xf32>
    %dot_general3A_444 = tpu.matmul %convert_element_type3A_10, %get3A_440, %dot_general3A_443 {dimension_numbers = #tpu.dot_dimension_numbers<[1], [0], [0], [1], [0, 0, 1, 1], [], []>, transpose_lhs_hint = false} : vector<1024x64xf32>, vector<64x3xf32>, vector<1024x3xf32> -> vector<1024x3xf32>
    %sub3A_445 = arith.subf %dot_general3A_442, %dot_general3A_444 : vector<1024x3xf32>
    %mul3A_446 = arith.mulf %sub3A_445, %sub3A_445 : vector<1024x3xf32>
    %reduce_sum3A_447 = arith.constant dense<0.000000e+00> : vector<1024xf32>
    %reduce_sum3A_448 = vector.multi_reduction <add>, %mul3A_446, %reduce_sum3A_447 [1] : vector<1024x3xf32> to vector<1024xf32>
    %broadcast_in_dim3A_449 = vector.shape_cast %reduce_sum3A_448 : vector<1024xf32> to vector<1024x1xf32>
    %sqrt3A_450 = math.sqrt %broadcast_in_dim3A_449 : vector<1024x1xf32>
    %get3A_451 = arith.constant 0 : index
    %get3A_452 = arith.constant 0 : index
    %get3A_453 = vector.load %arg8[%get3A_451, %get3A_452] : memref<1x128xf32, #tpu.memory_space<vmem>>, vector<1x128xf32>
    %mul3A_454 = vector.broadcast %sqrt3A_450 : vector<1024x1xf32> to vector<1024x128xf32>
    %mul3A_455 = vector.broadcast %get3A_453 : vector<1x128xf32> to vector<1024x128xf32>
    %mul3A_456 = arith.mulf %mul3A_454, %mul3A_455 : vector<1024x128xf32>
    %add3A_457 = arith.addf %get3A_435, %mul3A_456 : vector<1024x128xf32>
    %get3A_458 = arith.constant 0 : index
    %get3A_459 = arith.constant 0 : index
    %get3A_460 = vector.load %arg9[%get3A_458, %get3A_459] : memref<1x128xf32, #tpu.memory_space<vmem>>, vector<1x128xf32>
    %add3A_461 = vector.broadcast %get3A_460 : vector<1x128xf32> to vector<1024x128xf32>
    %add3A_462 = arith.addf %add3A_457, %add3A_461 : vector<1024x128xf32>
    %logistic3A_463 = arith.negf %add3A_462 : vector<1024x128xf32>
    %logistic3A_464 = math.exp %logistic3A_463 : vector<1024x128xf32>
    %logistic3A_465 = arith.constant 1.000000e+00 : f32
    %logistic3A_466 = vector.broadcast %logistic3A_465 : f32 to vector<1024x128xf32>
    %logistic3A_467 = arith.addf %logistic3A_466, %logistic3A_464 : vector<1024x128xf32>
    %logistic3A_468 = arith.divf %logistic3A_466, %logistic3A_467 : vector<1024x128xf32>
    %mul3A_469 = arith.mulf %add3A_462, %logistic3A_468 : vector<1024x128xf32>
    %get3A_470 = arith.constant 0 : index
    %get3A_471 = arith.constant 0 : index
    %get3A_472 = vector.load %arg10[%get3A_470, %get3A_471] : memref<128x128xf32, #tpu.memory_space<vmem>>, vector<128x128xf32>
    %dot_general3A_473 = arith.constant dense<0.000000e+00> : vector<1024x128xf32>
    %dot_general3A_474 = tpu.matmul %mul3A_469, %get3A_472, %dot_general3A_473 {dimension_numbers = #tpu.dot_dimension_numbers<[1], [0], [0], [1], [0, 0, 1, 1], [], []>, transpose_lhs_hint = false} : vector<1024x128xf32>, vector<128x128xf32>, vector<1024x128xf32> -> vector<1024x128xf32>
    %get3A_475 = arith.constant 0 : index
    %get3A_476 = arith.constant 0 : index
    %get3A_477 = vector.load %arg11[%get3A_475, %get3A_476] : memref<1x128xf32, #tpu.memory_space<vmem>>, vector<1x128xf32>
    %add3A_478 = vector.broadcast %get3A_477 : vector<1x128xf32> to vector<1024x128xf32>
    %add3A_479 = arith.addf %dot_general3A_474, %add3A_478 : vector<1024x128xf32>
    %logistic3A_480 = arith.negf %add3A_479 : vector<1024x128xf32>
    %logistic3A_481 = math.exp %logistic3A_480 : vector<1024x128xf32>
    %logistic3A_482 = arith.constant 1.000000e+00 : f32
    %logistic3A_483 = vector.broadcast %logistic3A_482 : f32 to vector<1024x128xf32>
    %logistic3A_484 = arith.addf %logistic3A_483, %logistic3A_481 : vector<1024x128xf32>
    %logistic3A_485 = arith.divf %logistic3A_483, %logistic3A_484 : vector<1024x128xf32>
    %mul3A_486 = arith.mulf %add3A_479, %logistic3A_485 : vector<1024x128xf32>
    %get3A_487 = arith.constant 0 : index
    %get3A_488 = arith.constant 0 : index
    %get3A_489 = vector.load %arg12[%get3A_487, %get3A_488] : memref<128x128xf32, #tpu.memory_space<vmem>>, vector<128x128xf32>
    %dot_general3A_490 = arith.constant dense<0.000000e+00> : vector<1024x128xf32>
    %dot_general3A_491 = tpu.matmul %mul3A_486, %get3A_489, %dot_general3A_490 {dimension_numbers = #tpu.dot_dimension_numbers<[1], [0], [0], [1], [0, 0, 1, 1], [], []>, transpose_lhs_hint = false} : vector<1024x128xf32>, vector<128x128xf32>, vector<1024x128xf32> -> vector<1024x128xf32>
    %get3A_492 = arith.constant 0 : index
    %get3A_493 = arith.constant 0 : index
    %get3A_494 = vector.load %arg13[%get3A_492, %get3A_493] : memref<1x128xf32, #tpu.memory_space<vmem>>, vector<1x128xf32>
    %add3A_495 = vector.broadcast %get3A_494 : vector<1x128xf32> to vector<1024x128xf32>
    %add3A_496 = arith.addf %dot_general3A_491, %add3A_495 : vector<1024x128xf32>
    %logistic3A_497 = arith.negf %add3A_496 : vector<1024x128xf32>
    %logistic3A_498 = math.exp %logistic3A_497 : vector<1024x128xf32>
    %logistic3A_499 = arith.constant 1.000000e+00 : f32
    %logistic3A_500 = vector.broadcast %logistic3A_499 : f32 to vector<1024x128xf32>
    %logistic3A_501 = arith.addf %logistic3A_500, %logistic3A_498 : vector<1024x128xf32>
    %logistic3A_502 = arith.divf %logistic3A_500, %logistic3A_501 : vector<1024x128xf32>
    %mul3A_503 = arith.mulf %add3A_496, %logistic3A_502 : vector<1024x128xf32>
    %get3A_504 = arith.constant 0 : index
    %get3A_505 = arith.constant 0 : index
    %get3A_506 = vector.load %arg14[%get3A_504, %get3A_505] : memref<1x128xf32, #tpu.memory_space<vmem>>, vector<1x128xf32>
    %mul3A_507 = vector.broadcast %get3A_506 : vector<1x128xf32> to vector<1024x128xf32>
    %mul3A_508 = arith.mulf %mul3A_503, %mul3A_507 : vector<1024x128xf32>
    %reduce_sum3A_509 = arith.constant dense<0.000000e+00> : vector<1024xf32>
    %reduce_sum3A_510 = vector.multi_reduction <add>, %mul3A_508, %reduce_sum3A_509 [1] : vector<1024x128xf32> to vector<1024xf32>
    %broadcast_in_dim3A_511 = vector.shape_cast %reduce_sum3A_510 : vector<1024xf32> to vector<1024x1xf32>
    %mul3A_512 = vector.broadcast %get3A_16 : vector<1024x1xf32> to vector<1024x128xf32>
    %mul3A_513 = arith.mulf %mul3A_486, %mul3A_512 : vector<1024x128xf32>
    %dot_general3A_514 = arith.constant dense<0.000000e+00> : vector<64x128xf32>
    %dot_general3A_515 = tpu.matmul %get3A_13, %mul3A_513, %dot_general3A_514 {dimension_numbers = #tpu.dot_dimension_numbers<[1], [0], [0], [1], [0, 0, 1, 1], [], []>, transpose_lhs_hint = false} : vector<64x1024xf32>, vector<1024x128xf32>, vector<64x128xf32> -> vector<64x128xf32>
    %mul3A_516 = arith.mulf %broadcast_in_dim3A_511, %get3A_16 : vector<1024x1xf32>
    %mul3A_517 = vector.broadcast %mul3A_516 : vector<1024x1xf32> to vector<1024x3xf32>
    %mul3A_518 = arith.mulf %sub3A_445, %mul3A_517 : vector<1024x3xf32>
    %dot_general3A_519 = arith.constant dense<0.000000e+00> : vector<64x3xf32>
    %dot_general3A_520 = tpu.matmul %get3A_13, %mul3A_518, %dot_general3A_519 {dimension_numbers = #tpu.dot_dimension_numbers<[1], [0], [0], [1], [0, 0, 1, 1], [], []>, transpose_lhs_hint = false} : vector<64x1024xf32>, vector<1024x3xf32>, vector<64x3xf32> -> vector<64x3xf32>
    %div3A_521 = vector.broadcast %get3A_19 : vector<64x1xf32> to vector<64x3xf32>
    %div3A_522 = arith.divf %dot_general3A_520, %div3A_521 : vector<64x3xf32>
    %add3A_523 = arith.addf %get3A_440, %div3A_522 : vector<64x3xf32>
    %swap3A_524 = arith.constant 3 : index
    %swap3A_525 = arith.constant 0 : index
    %swap3A_526 = arith.constant 0 : index
    %swap3A_527 = vector.load %arg20[%swap3A_524, %swap3A_525, %swap3A_526] : memref<8x64x3xf32, #tpu.memory_space<vmem>>, vector<1x64x3xf32>
    %swap3A_528 = vector.shape_cast %swap3A_527 : vector<1x64x3xf32> to vector<64x3xf32>
    %swap3A_529 = vector.shape_cast %add3A_523 : vector<64x3xf32> to vector<1x64x3xf32>
    tpu.vector_store %arg20[%swap3A_524, %swap3A_525, %swap3A_526], %swap3A_529 {strides = array<i32>} : memref<8x64x3xf32, #tpu.memory_space<vmem>>, vector<1x64x3xf32>,
    %get3A_530 = arith.constant 3 : index
    %get3A_531 = arith.constant 0 : index
    %get3A_532 = arith.constant 0 : index
    %get3A_533 = vector.load %arg7[%get3A_530, %get3A_531, %get3A_532] : memref<8x64x256xf32, #tpu.memory_space<vmem>>, vector<1x64x256xf32>
    %get3A_534 = vector.shape_cast %get3A_533 : vector<1x64x256xf32> to vector<64x256xf32>
    %get3A_535 = arith.constant 0 : index
    %get3A_536 = arith.constant 0 : index
    %get3A_537 = vector.load %arg15[%get3A_535, %get3A_536] : memref<256x128xf32, #tpu.memory_space<vmem>>, vector<256x128xf32>
    %dot_general3A_538 = arith.constant dense<0.000000e+00> : vector<64x128xf32>
    %dot_general3A_539 = tpu.matmul %get3A_534, %get3A_537, %dot_general3A_538 {dimension_numbers = #tpu.dot_dimension_numbers<[1], [0], [0], [1], [0, 0, 1, 1], [], []>, transpose_lhs_hint = false} : vector<64x256xf32>, vector<256x128xf32>, vector<64x128xf32> -> vector<64x128xf32>
    %get3A_540 = arith.constant 0 : index
    %get3A_541 = arith.constant 0 : index
    %get3A_542 = vector.load %arg16[%get3A_540, %get3A_541] : memref<128x128xf32, #tpu.memory_space<vmem>>, vector<128x128xf32>
    %dot_general3A_543 = arith.constant dense<0.000000e+00> : vector<64x128xf32>
    %dot_general3A_544 = tpu.matmul %dot_general3A_515, %get3A_542, %dot_general3A_543 {dimension_numbers = #tpu.dot_dimension_numbers<[1], [0], [0], [1], [0, 0, 1, 1], [], []>, transpose_lhs_hint = false} : vector<64x128xf32>, vector<128x128xf32>, vector<64x128xf32> -> vector<64x128xf32>
    %add3A_545 = arith.addf %dot_general3A_539, %dot_general3A_544 : vector<64x128xf32>
    %get3A_546 = arith.constant 0 : index
    %get3A_547 = arith.constant 0 : index
    %get3A_548 = vector.load %arg17[%get3A_546, %get3A_547] : memref<1x128xf32, #tpu.memory_space<vmem>>, vector<1x128xf32>
    %add3A_549 = vector.broadcast %get3A_548 : vector<1x128xf32> to vector<64x128xf32>
    %add3A_550 = arith.addf %add3A_545, %add3A_549 : vector<64x128xf32>
    %logistic3A_551 = arith.negf %add3A_550 : vector<64x128xf32>
    %logistic3A_552 = math.exp %logistic3A_551 : vector<64x128xf32>
    %logistic3A_553 = arith.constant 1.000000e+00 : f32
    %logistic3A_554 = vector.broadcast %logistic3A_553 : f32 to vector<64x128xf32>
    %logistic3A_555 = arith.addf %logistic3A_554, %logistic3A_552 : vector<64x128xf32>
    %logistic3A_556 = arith.divf %logistic3A_554, %logistic3A_555 : vector<64x128xf32>
    %mul3A_557 = arith.mulf %add3A_550, %logistic3A_556 : vector<64x128xf32>
    %get3A_558 = arith.constant 0 : index
    %get3A_559 = arith.constant 0 : index
    %get3A_560 = vector.load %arg18[%get3A_558, %get3A_559] : memref<128x256xf32, #tpu.memory_space<vmem>>, vector<128x256xf32>
    %dot_general3A_561 = arith.constant dense<0.000000e+00> : vector<64x256xf32>
    %dot_general3A_562 = tpu.matmul %mul3A_557, %get3A_560, %dot_general3A_561 {dimension_numbers = #tpu.dot_dimension_numbers<[1], [0], [0], [1], [0, 0, 1, 1], [], []>, transpose_lhs_hint = false} : vector<64x128xf32>, vector<128x256xf32>, vector<64x256xf32> -> vector<64x256xf32>
    %get3A_563 = arith.constant 0 : index
    %get3A_564 = arith.constant 0 : index
    %get3A_565 = vector.load %arg19[%get3A_563, %get3A_564] : memref<1x256xf32, #tpu.memory_space<vmem>>, vector<1x256xf32>
    %add3A_566 = vector.broadcast %get3A_565 : vector<1x256xf32> to vector<64x256xf32>
    %add3A_567 = arith.addf %dot_general3A_562, %add3A_566 : vector<64x256xf32>
    %swap3A_568 = arith.constant 3 : index
    %swap3A_569 = arith.constant 0 : index
    %swap3A_570 = arith.constant 0 : index
    %swap3A_571 = vector.load %arg21[%swap3A_568, %swap3A_569, %swap3A_570] : memref<8x64x256xf32, #tpu.memory_space<vmem>>, vector<1x64x256xf32>
    %swap3A_572 = vector.shape_cast %swap3A_571 : vector<1x64x256xf32> to vector<64x256xf32>
    %swap3A_573 = vector.shape_cast %add3A_567 : vector<64x256xf32> to vector<1x64x256xf32>
    tpu.vector_store %arg21[%swap3A_568, %swap3A_569, %swap3A_570], %swap3A_573 {strides = array<i32>} : memref<8x64x256xf32, #tpu.memory_space<vmem>>, vector<1x64x256xf32>,
    %get3A_574 = arith.constant 4096 : index
    %get3A_575 = arith.constant 0 : index
    %get3A_576 = vector.load %arg0[%get3A_574, %get3A_575] : memref<8192x128xf32, #tpu.memory_space<vmem>>, vector<1024x128xf32>
    %get3A_577 = arith.constant 4 : index
    %get3A_578 = arith.constant 0 : index
    %get3A_579 = arith.constant 0 : index
    %get3A_580 = vector.load %arg6[%get3A_577, %get3A_578, %get3A_579] : memref<8x64x3xf32, #tpu.memory_space<vmem>>, vector<1x64x3xf32>
    %get3A_581 = vector.shape_cast %get3A_580 : vector<1x64x3xf32> to vector<64x3xf32>
    %dot_general3A_582 = arith.constant dense<0.000000e+00> : vector<1024x3xf32>
    %dot_general3A_583 = tpu.matmul %convert_element_type3A_3, %get3A_581, %dot_general3A_582 {dimension_numbers = #tpu.dot_dimension_numbers<[1], [0], [0], [1], [0, 0, 1, 1], [], []>, transpose_lhs_hint = false} : vector<1024x64xf32>, vector<64x3xf32>, vector<1024x3xf32> -> vector<1024x3xf32>
    %dot_general3A_584 = arith.constant dense<0.000000e+00> : vector<1024x3xf32>
    %dot_general3A_585 = tpu.matmul %convert_element_type3A_10, %get3A_581, %dot_general3A_584 {dimension_numbers = #tpu.dot_dimension_numbers<[1], [0], [0], [1], [0, 0, 1, 1], [], []>, transpose_lhs_hint = false} : vector<1024x64xf32>, vector<64x3xf32>, vector<1024x3xf32> -> vector<1024x3xf32>
    %sub3A_586 = arith.subf %dot_general3A_583, %dot_general3A_585 : vector<1024x3xf32>
    %mul3A_587 = arith.mulf %sub3A_586, %sub3A_586 : vector<1024x3xf32>
    %reduce_sum3A_588 = arith.constant dense<0.000000e+00> : vector<1024xf32>
    %reduce_sum3A_589 = vector.multi_reduction <add>, %mul3A_587, %reduce_sum3A_588 [1] : vector<1024x3xf32> to vector<1024xf32>
    %broadcast_in_dim3A_590 = vector.shape_cast %reduce_sum3A_589 : vector<1024xf32> to vector<1024x1xf32>
    %sqrt3A_591 = math.sqrt %broadcast_in_dim3A_590 : vector<1024x1xf32>
    %get3A_592 = arith.constant 0 : index
    %get3A_593 = arith.constant 0 : index
    %get3A_594 = vector.load %arg8[%get3A_592, %get3A_593] : memref<1x128xf32, #tpu.memory_space<vmem>>, vector<1x128xf32>
    %mul3A_595 = vector.broadcast %sqrt3A_591 : vector<1024x1xf32> to vector<1024x128xf32>
    %mul3A_596 = vector.broadcast %get3A_594 : vector<1x128xf32> to vector<1024x128xf32>
    %mul3A_597 = arith.mulf %mul3A_595, %mul3A_596 : vector<1024x128xf32>
    %add3A_598 = arith.addf %get3A_576, %mul3A_597 : vector<1024x128xf32>
    %get3A_599 = arith.constant 0 : index
    %get3A_600 = arith.constant 0 : index
    %get3A_601 = vector.load %arg9[%get3A_599, %get3A_600] : memref<1x128xf32, #tpu.memory_space<vmem>>, vector<1x128xf32>
    %add3A_602 = vector.broadcast %get3A_601 : vector<1x128xf32> to vector<1024x128xf32>
    %add3A_603 = arith.addf %add3A_598, %add3A_602 : vector<1024x128xf32>
    %logistic3A_604 = arith.negf %add3A_603 : vector<1024x128xf32>
    %logistic3A_605 = math.exp %logistic3A_604 : vector<1024x128xf32>
    %logistic3A_606 = arith.constant 1.000000e+00 : f32
    %logistic3A_607 = vector.broadcast %logistic3A_606 : f32 to vector<1024x128xf32>
    %logistic3A_608 = arith.addf %logistic3A_607, %logistic3A_605 : vector<1024x128xf32>
    %logistic3A_609 = arith.divf %logistic3A_607, %logistic3A_608 : vector<1024x128xf32>
    %mul3A_610 = arith.mulf %add3A_603, %logistic3A_609 : vector<1024x128xf32>
    %get3A_611 = arith.constant 0 : index
    %get3A_612 = arith.constant 0 : index
    %get3A_613 = vector.load %arg10[%get3A_611, %get3A_612] : memref<128x128xf32, #tpu.memory_space<vmem>>, vector<128x128xf32>
    %dot_general3A_614 = arith.constant dense<0.000000e+00> : vector<1024x128xf32>
    %dot_general3A_615 = tpu.matmul %mul3A_610, %get3A_613, %dot_general3A_614 {dimension_numbers = #tpu.dot_dimension_numbers<[1], [0], [0], [1], [0, 0, 1, 1], [], []>, transpose_lhs_hint = false} : vector<1024x128xf32>, vector<128x128xf32>, vector<1024x128xf32> -> vector<1024x128xf32>
    %get3A_616 = arith.constant 0 : index
    %get3A_617 = arith.constant 0 : index
    %get3A_618 = vector.load %arg11[%get3A_616, %get3A_617] : memref<1x128xf32, #tpu.memory_space<vmem>>, vector<1x128xf32>
    %add3A_619 = vector.broadcast %get3A_618 : vector<1x128xf32> to vector<1024x128xf32>
    %add3A_620 = arith.addf %dot_general3A_615, %add3A_619 : vector<1024x128xf32>
    %logistic3A_621 = arith.negf %add3A_620 : vector<1024x128xf32>
    %logistic3A_622 = math.exp %logistic3A_621 : vector<1024x128xf32>
    %logistic3A_623 = arith.constant 1.000000e+00 : f32
    %logistic3A_624 = vector.broadcast %logistic3A_623 : f32 to vector<1024x128xf32>
    %logistic3A_625 = arith.addf %logistic3A_624, %logistic3A_622 : vector<1024x128xf32>
    %logistic3A_626 = arith.divf %logistic3A_624, %logistic3A_625 : vector<1024x128xf32>
    %mul3A_627 = arith.mulf %add3A_620, %logistic3A_626 : vector<1024x128xf32>
    %get3A_628 = arith.constant 0 : index
    %get3A_629 = arith.constant 0 : index
    %get3A_630 = vector.load %arg12[%get3A_628, %get3A_629] : memref<128x128xf32, #tpu.memory_space<vmem>>, vector<128x128xf32>
    %dot_general3A_631 = arith.constant dense<0.000000e+00> : vector<1024x128xf32>
    %dot_general3A_632 = tpu.matmul %mul3A_627, %get3A_630, %dot_general3A_631 {dimension_numbers = #tpu.dot_dimension_numbers<[1], [0], [0], [1], [0, 0, 1, 1], [], []>, transpose_lhs_hint = false} : vector<1024x128xf32>, vector<128x128xf32>, vector<1024x128xf32> -> vector<1024x128xf32>
    %get3A_633 = arith.constant 0 : index
    %get3A_634 = arith.constant 0 : index
    %get3A_635 = vector.load %arg13[%get3A_633, %get3A_634] : memref<1x128xf32, #tpu.memory_space<vmem>>, vector<1x128xf32>
    %add3A_636 = vector.broadcast %get3A_635 : vector<1x128xf32> to vector<1024x128xf32>
    %add3A_637 = arith.addf %dot_general3A_632, %add3A_636 : vector<1024x128xf32>
    %logistic3A_638 = arith.negf %add3A_637 : vector<1024x128xf32>
    %logistic3A_639 = math.exp %logistic3A_638 : vector<1024x128xf32>
    %logistic3A_640 = arith.constant 1.000000e+00 : f32
    %logistic3A_641 = vector.broadcast %logistic3A_640 : f32 to vector<1024x128xf32>
    %logistic3A_642 = arith.addf %logistic3A_641, %logistic3A_639 : vector<1024x128xf32>
    %logistic3A_643 = arith.divf %logistic3A_641, %logistic3A_642 : vector<1024x128xf32>
    %mul3A_644 = arith.mulf %add3A_637, %logistic3A_643 : vector<1024x128xf32>
    %get3A_645 = arith.constant 0 : index
    %get3A_646 = arith.constant 0 : index
    %get3A_647 = vector.load %arg14[%get3A_645, %get3A_646] : memref<1x128xf32, #tpu.memory_space<vmem>>, vector<1x128xf32>
    %mul3A_648 = vector.broadcast %get3A_647 : vector<1x128xf32> to vector<1024x128xf32>
    %mul3A_649 = arith.mulf %mul3A_644, %mul3A_648 : vector<1024x128xf32>
    %reduce_sum3A_650 = arith.constant dense<0.000000e+00> : vector<1024xf32>
    %reduce_sum3A_651 = vector.multi_reduction <add>, %mul3A_649, %reduce_sum3A_650 [1] : vector<1024x128xf32> to vector<1024xf32>
    %broadcast_in_dim3A_652 = vector.shape_cast %reduce_sum3A_651 : vector<1024xf32> to vector<1024x1xf32>
    %mul3A_653 = vector.broadcast %get3A_16 : vector<1024x1xf32> to vector<1024x128xf32>
    %mul3A_654 = arith.mulf %mul3A_627, %mul3A_653 : vector<1024x128xf32>
    %dot_general3A_655 = arith.constant dense<0.000000e+00> : vector<64x128xf32>
    %dot_general3A_656 = tpu.matmul %get3A_13, %mul3A_654, %dot_general3A_655 {dimension_numbers = #tpu.dot_dimension_numbers<[1], [0], [0], [1], [0, 0, 1, 1], [], []>, transpose_lhs_hint = false} : vector<64x1024xf32>, vector<1024x128xf32>, vector<64x128xf32> -> vector<64x128xf32>
    %mul3A_657 = arith.mulf %broadcast_in_dim3A_652, %get3A_16 : vector<1024x1xf32>
    %mul3A_658 = vector.broadcast %mul3A_657 : vector<1024x1xf32> to vector<1024x3xf32>
    %mul3A_659 = arith.mulf %sub3A_586, %mul3A_658 : vector<1024x3xf32>
    %dot_general3A_660 = arith.constant dense<0.000000e+00> : vector<64x3xf32>
    %dot_general3A_661 = tpu.matmul %get3A_13, %mul3A_659, %dot_general3A_660 {dimension_numbers = #tpu.dot_dimension_numbers<[1], [0], [0], [1], [0, 0, 1, 1], [], []>, transpose_lhs_hint = false} : vector<64x1024xf32>, vector<1024x3xf32>, vector<64x3xf32> -> vector<64x3xf32>
    %div3A_662 = vector.broadcast %get3A_19 : vector<64x1xf32> to vector<64x3xf32>
    %div3A_663 = arith.divf %dot_general3A_661, %div3A_662 : vector<64x3xf32>
    %add3A_664 = arith.addf %get3A_581, %div3A_663 : vector<64x3xf32>
    %swap3A_665 = arith.constant 4 : index
    %swap3A_666 = arith.constant 0 : index
    %swap3A_667 = arith.constant 0 : index
    %swap3A_668 = vector.load %arg20[%swap3A_665, %swap3A_666, %swap3A_667] : memref<8x64x3xf32, #tpu.memory_space<vmem>>, vector<1x64x3xf32>
    %swap3A_669 = vector.shape_cast %swap3A_668 : vector<1x64x3xf32> to vector<64x3xf32>
    %swap3A_670 = vector.shape_cast %add3A_664 : vector<64x3xf32> to vector<1x64x3xf32>
    tpu.vector_store %arg20[%swap3A_665, %swap3A_666, %swap3A_667], %swap3A_670 {strides = array<i32>} : memref<8x64x3xf32, #tpu.memory_space<vmem>>, vector<1x64x3xf32>,
    %get3A_671 = arith.constant 4 : index
    %get3A_672 = arith.constant 0 : index
    %get3A_673 = arith.constant 0 : index
    %get3A_674 = vector.load %arg7[%get3A_671, %get3A_672, %get3A_673] : memref<8x64x256xf32, #tpu.memory_space<vmem>>, vector<1x64x256xf32>
    %get3A_675 = vector.shape_cast %get3A_674 : vector<1x64x256xf32> to vector<64x256xf32>
    %get3A_676 = arith.constant 0 : index
    %get3A_677 = arith.constant 0 : index
    %get3A_678 = vector.load %arg15[%get3A_676, %get3A_677] : memref<256x128xf32, #tpu.memory_space<vmem>>, vector<256x128xf32>
    %dot_general3A_679 = arith.constant dense<0.000000e+00> : vector<64x128xf32>
    %dot_general3A_680 = tpu.matmul %get3A_675, %get3A_678, %dot_general3A_679 {dimension_numbers = #tpu.dot_dimension_numbers<[1], [0], [0], [1], [0, 0, 1, 1], [], []>, transpose_lhs_hint = false} : vector<64x256xf32>, vector<256x128xf32>, vector<64x128xf32> -> vector<64x128xf32>
    %get3A_681 = arith.constant 0 : index
    %get3A_682 = arith.constant 0 : index
    %get3A_683 = vector.load %arg16[%get3A_681, %get3A_682] : memref<128x128xf32, #tpu.memory_space<vmem>>, vector<128x128xf32>
    %dot_general3A_684 = arith.constant dense<0.000000e+00> : vector<64x128xf32>
    %dot_general3A_685 = tpu.matmul %dot_general3A_656, %get3A_683, %dot_general3A_684 {dimension_numbers = #tpu.dot_dimension_numbers<[1], [0], [0], [1], [0, 0, 1, 1], [], []>, transpose_lhs_hint = false} : vector<64x128xf32>, vector<128x128xf32>, vector<64x128xf32> -> vector<64x128xf32>
    %add3A_686 = arith.addf %dot_general3A_680, %dot_general3A_685 : vector<64x128xf32>
    %get3A_687 = arith.constant 0 : index
    %get3A_688 = arith.constant 0 : index
    %get3A_689 = vector.load %arg17[%get3A_687, %get3A_688] : memref<1x128xf32, #tpu.memory_space<vmem>>, vector<1x128xf32>
    %add3A_690 = vector.broadcast %get3A_689 : vector<1x128xf32> to vector<64x128xf32>
    %add3A_691 = arith.addf %add3A_686, %add3A_690 : vector<64x128xf32>
    %logistic3A_692 = arith.negf %add3A_691 : vector<64x128xf32>
    %logistic3A_693 = math.exp %logistic3A_692 : vector<64x128xf32>
    %logistic3A_694 = arith.constant 1.000000e+00 : f32
    %logistic3A_695 = vector.broadcast %logistic3A_694 : f32 to vector<64x128xf32>
    %logistic3A_696 = arith.addf %logistic3A_695, %logistic3A_693 : vector<64x128xf32>
    %logistic3A_697 = arith.divf %logistic3A_695, %logistic3A_696 : vector<64x128xf32>
    %mul3A_698 = arith.mulf %add3A_691, %logistic3A_697 : vector<64x128xf32>
    %get3A_699 = arith.constant 0 : index
    %get3A_700 = arith.constant 0 : index
    %get3A_701 = vector.load %arg18[%get3A_699, %get3A_700] : memref<128x256xf32, #tpu.memory_space<vmem>>, vector<128x256xf32>
    %dot_general3A_702 = arith.constant dense<0.000000e+00> : vector<64x256xf32>
    %dot_general3A_703 = tpu.matmul %mul3A_698, %get3A_701, %dot_general3A_702 {dimension_numbers = #tpu.dot_dimension_numbers<[1], [0], [0], [1], [0, 0, 1, 1], [], []>, transpose_lhs_hint = false} : vector<64x128xf32>, vector<128x256xf32>, vector<64x256xf32> -> vector<64x256xf32>
    %get3A_704 = arith.constant 0 : index
    %get3A_705 = arith.constant 0 : index
    %get3A_706 = vector.load %arg19[%get3A_704, %get3A_705] : memref<1x256xf32, #tpu.memory_space<vmem>>, vector<1x256xf32>
    %add3A_707 = vector.broadcast %get3A_706 : vector<1x256xf32> to vector<64x256xf32>
    %add3A_708 = arith.addf %dot_general3A_703, %add3A_707 : vector<64x256xf32>
    %swap3A_709 = arith.constant 4 : index
    %swap3A_710 = arith.constant 0 : index
    %swap3A_711 = arith.constant 0 : index
    %swap3A_712 = vector.load %arg21[%swap3A_709, %swap3A_710, %swap3A_711] : memref<8x64x256xf32, #tpu.memory_space<vmem>>, vector<1x64x256xf32>
    %swap3A_713 = vector.shape_cast %swap3A_712 : vector<1x64x256xf32> to vector<64x256xf32>
    %swap3A_714 = vector.shape_cast %add3A_708 : vector<64x256xf32> to vector<1x64x256xf32>
    tpu.vector_store %arg21[%swap3A_709, %swap3A_710, %swap3A_711], %swap3A_714 {strides = array<i32>} : memref<8x64x256xf32, #tpu.memory_space<vmem>>, vector<1x64x256xf32>,
    %get3A_715 = arith.constant 5120 : index
    %get3A_716 = arith.constant 0 : index
    %get3A_717 = vector.load %arg0[%get3A_715, %get3A_716] : memref<8192x128xf32, #tpu.memory_space<vmem>>, vector<1024x128xf32>
    %get3A_718 = arith.constant 5 : index
    %get3A_719 = arith.constant 0 : index
    %get3A_720 = arith.constant 0 : index
    %get3A_721 = vector.load %arg6[%get3A_718, %get3A_719, %get3A_720] : memref<8x64x3xf32, #tpu.memory_space<vmem>>, vector<1x64x3xf32>
    %get3A_722 = vector.shape_cast %get3A_721 : vector<1x64x3xf32> to vector<64x3xf32>
    %dot_general3A_723 = arith.constant dense<0.000000e+00> : vector<1024x3xf32>
    %dot_general3A_724 = tpu.matmul %convert_element_type3A_3, %get3A_722, %dot_general3A_723 {dimension_numbers = #tpu.dot_dimension_numbers<[1], [0], [0], [1], [0, 0, 1, 1], [], []>, transpose_lhs_hint = false} : vector<1024x64xf32>, vector<64x3xf32>, vector<1024x3xf32> -> vector<1024x3xf32>
    %dot_general3A_725 = arith.constant dense<0.000000e+00> : vector<1024x3xf32>
    %dot_general3A_726 = tpu.matmul %convert_element_type3A_10, %get3A_722, %dot_general3A_725 {dimension_numbers = #tpu.dot_dimension_numbers<[1], [0], [0], [1], [0, 0, 1, 1], [], []>, transpose_lhs_hint = false} : vector<1024x64xf32>, vector<64x3xf32>, vector<1024x3xf32> -> vector<1024x3xf32>
    %sub3A_727 = arith.subf %dot_general3A_724, %dot_general3A_726 : vector<1024x3xf32>
    %mul3A_728 = arith.mulf %sub3A_727, %sub3A_727 : vector<1024x3xf32>
    %reduce_sum3A_729 = arith.constant dense<0.000000e+00> : vector<1024xf32>
    %reduce_sum3A_730 = vector.multi_reduction <add>, %mul3A_728, %reduce_sum3A_729 [1] : vector<1024x3xf32> to vector<1024xf32>
    %broadcast_in_dim3A_731 = vector.shape_cast %reduce_sum3A_730 : vector<1024xf32> to vector<1024x1xf32>
    %sqrt3A_732 = math.sqrt %broadcast_in_dim3A_731 : vector<1024x1xf32>
    %get3A_733 = arith.constant 0 : index
    %get3A_734 = arith.constant 0 : index
    %get3A_735 = vector.load %arg8[%get3A_733, %get3A_734] : memref<1x128xf32, #tpu.memory_space<vmem>>, vector<1x128xf32>
    %mul3A_736 = vector.broadcast %sqrt3A_732 : vector<1024x1xf32> to vector<1024x128xf32>
    %mul3A_737 = vector.broadcast %get3A_735 : vector<1x128xf32> to vector<1024x128xf32>
    %mul3A_738 = arith.mulf %mul3A_736, %mul3A_737 : vector<1024x128xf32>
    %add3A_739 = arith.addf %get3A_717, %mul3A_738 : vector<1024x128xf32>
    %get3A_740 = arith.constant 0 : index
    %get3A_741 = arith.constant 0 : index
    %get3A_742 = vector.load %arg9[%get3A_740, %get3A_741] : memref<1x128xf32, #tpu.memory_space<vmem>>, vector<1x128xf32>
    %add3A_743 = vector.broadcast %get3A_742 : vector<1x128xf32> to vector<1024x128xf32>
    %add3A_744 = arith.addf %add3A_739, %add3A_743 : vector<1024x128xf32>
    %logistic3A_745 = arith.negf %add3A_744 : vector<1024x128xf32>
    %logistic3A_746 = math.exp %logistic3A_745 : vector<1024x128xf32>
    %logistic3A_747 = arith.constant 1.000000e+00 : f32
    %logistic3A_748 = vector.broadcast %logistic3A_747 : f32 to vector<1024x128xf32>
    %logistic3A_749 = arith.addf %logistic3A_748, %logistic3A_746 : vector<1024x128xf32>
    %logistic3A_750 = arith.divf %logistic3A_748, %logistic3A_749 : vector<1024x128xf32>
    %mul3A_751 = arith.mulf %add3A_744, %logistic3A_750 : vector<1024x128xf32>
    %get3A_752 = arith.constant 0 : index
    %get3A_753 = arith.constant 0 : index
    %get3A_754 = vector.load %arg10[%get3A_752, %get3A_753] : memref<128x128xf32, #tpu.memory_space<vmem>>, vector<128x128xf32>
    %dot_general3A_755 = arith.constant dense<0.000000e+00> : vector<1024x128xf32>
    %dot_general3A_756 = tpu.matmul %mul3A_751, %get3A_754, %dot_general3A_755 {dimension_numbers = #tpu.dot_dimension_numbers<[1], [0], [0], [1], [0, 0, 1, 1], [], []>, transpose_lhs_hint = false} : vector<1024x128xf32>, vector<128x128xf32>, vector<1024x128xf32> -> vector<1024x128xf32>
    %get3A_757 = arith.constant 0 : index
    %get3A_758 = arith.constant 0 : index
    %get3A_759 = vector.load %arg11[%get3A_757, %get3A_758] : memref<1x128xf32, #tpu.memory_space<vmem>>, vector<1x128xf32>
    %add3A_760 = vector.broadcast %get3A_759 : vector<1x128xf32> to vector<1024x128xf32>
    %add3A_761 = arith.addf %dot_general3A_756, %add3A_760 : vector<1024x128xf32>
    %logistic3A_762 = arith.negf %add3A_761 : vector<1024x128xf32>
    %logistic3A_763 = math.exp %logistic3A_762 : vector<1024x128xf32>
    %logistic3A_764 = arith.constant 1.000000e+00 : f32
    %logistic3A_765 = vector.broadcast %logistic3A_764 : f32 to vector<1024x128xf32>
    %logistic3A_766 = arith.addf %logistic3A_765, %logistic3A_763 : vector<1024x128xf32>
    %logistic3A_767 = arith.divf %logistic3A_765, %logistic3A_766 : vector<1024x128xf32>
    %mul3A_768 = arith.mulf %add3A_761, %logistic3A_767 : vector<1024x128xf32>
    %get3A_769 = arith.constant 0 : index
    %get3A_770 = arith.constant 0 : index
    %get3A_771 = vector.load %arg12[%get3A_769, %get3A_770] : memref<128x128xf32, #tpu.memory_space<vmem>>, vector<128x128xf32>
    %dot_general3A_772 = arith.constant dense<0.000000e+00> : vector<1024x128xf32>
    %dot_general3A_773 = tpu.matmul %mul3A_768, %get3A_771, %dot_general3A_772 {dimension_numbers = #tpu.dot_dimension_numbers<[1], [0], [0], [1], [0, 0, 1, 1], [], []>, transpose_lhs_hint = false} : vector<1024x128xf32>, vector<128x128xf32>, vector<1024x128xf32> -> vector<1024x128xf32>
    %get3A_774 = arith.constant 0 : index
    %get3A_775 = arith.constant 0 : index
    %get3A_776 = vector.load %arg13[%get3A_774, %get3A_775] : memref<1x128xf32, #tpu.memory_space<vmem>>, vector<1x128xf32>
    %add3A_777 = vector.broadcast %get3A_776 : vector<1x128xf32> to vector<1024x128xf32>
    %add3A_778 = arith.addf %dot_general3A_773, %add3A_777 : vector<1024x128xf32>
    %logistic3A_779 = arith.negf %add3A_778 : vector<1024x128xf32>
    %logistic3A_780 = math.exp %logistic3A_779 : vector<1024x128xf32>
    %logistic3A_781 = arith.constant 1.000000e+00 : f32
    %logistic3A_782 = vector.broadcast %logistic3A_781 : f32 to vector<1024x128xf32>
    %logistic3A_783 = arith.addf %logistic3A_782, %logistic3A_780 : vector<1024x128xf32>
    %logistic3A_784 = arith.divf %logistic3A_782, %logistic3A_783 : vector<1024x128xf32>
    %mul3A_785 = arith.mulf %add3A_778, %logistic3A_784 : vector<1024x128xf32>
    %get3A_786 = arith.constant 0 : index
    %get3A_787 = arith.constant 0 : index
    %get3A_788 = vector.load %arg14[%get3A_786, %get3A_787] : memref<1x128xf32, #tpu.memory_space<vmem>>, vector<1x128xf32>
    %mul3A_789 = vector.broadcast %get3A_788 : vector<1x128xf32> to vector<1024x128xf32>
    %mul3A_790 = arith.mulf %mul3A_785, %mul3A_789 : vector<1024x128xf32>
    %reduce_sum3A_791 = arith.constant dense<0.000000e+00> : vector<1024xf32>
    %reduce_sum3A_792 = vector.multi_reduction <add>, %mul3A_790, %reduce_sum3A_791 [1] : vector<1024x128xf32> to vector<1024xf32>
    %broadcast_in_dim3A_793 = vector.shape_cast %reduce_sum3A_792 : vector<1024xf32> to vector<1024x1xf32>
    %mul3A_794 = vector.broadcast %get3A_16 : vector<1024x1xf32> to vector<1024x128xf32>
    %mul3A_795 = arith.mulf %mul3A_768, %mul3A_794 : vector<1024x128xf32>
    %dot_general3A_796 = arith.constant dense<0.000000e+00> : vector<64x128xf32>
    %dot_general3A_797 = tpu.matmul %get3A_13, %mul3A_795, %dot_general3A_796 {dimension_numbers = #tpu.dot_dimension_numbers<[1], [0], [0], [1], [0, 0, 1, 1], [], []>, transpose_lhs_hint = false} : vector<64x1024xf32>, vector<1024x128xf32>, vector<64x128xf32> -> vector<64x128xf32>
    %mul3A_798 = arith.mulf %broadcast_in_dim3A_793, %get3A_16 : vector<1024x1xf32>
    %mul3A_799 = vector.broadcast %mul3A_798 : vector<1024x1xf32> to vector<1024x3xf32>
    %mul3A_800 = arith.mulf %sub3A_727, %mul3A_799 : vector<1024x3xf32>
    %dot_general3A_801 = arith.constant dense<0.000000e+00> : vector<64x3xf32>
    %dot_general3A_802 = tpu.matmul %get3A_13, %mul3A_800, %dot_general3A_801 {dimension_numbers = #tpu.dot_dimension_numbers<[1], [0], [0], [1], [0, 0, 1, 1], [], []>, transpose_lhs_hint = false} : vector<64x1024xf32>, vector<1024x3xf32>, vector<64x3xf32> -> vector<64x3xf32>
    %div3A_803 = vector.broadcast %get3A_19 : vector<64x1xf32> to vector<64x3xf32>
    %div3A_804 = arith.divf %dot_general3A_802, %div3A_803 : vector<64x3xf32>
    %add3A_805 = arith.addf %get3A_722, %div3A_804 : vector<64x3xf32>
    %swap3A_806 = arith.constant 5 : index
    %swap3A_807 = arith.constant 0 : index
    %swap3A_808 = arith.constant 0 : index
    %swap3A_809 = vector.load %arg20[%swap3A_806, %swap3A_807, %swap3A_808] : memref<8x64x3xf32, #tpu.memory_space<vmem>>, vector<1x64x3xf32>
    %swap3A_810 = vector.shape_cast %swap3A_809 : vector<1x64x3xf32> to vector<64x3xf32>
    %swap3A_811 = vector.shape_cast %add3A_805 : vector<64x3xf32> to vector<1x64x3xf32>
    tpu.vector_store %arg20[%swap3A_806, %swap3A_807, %swap3A_808], %swap3A_811 {strides = array<i32>} : memref<8x64x3xf32, #tpu.memory_space<vmem>>, vector<1x64x3xf32>,
    %get3A_812 = arith.constant 5 : index
    %get3A_813 = arith.constant 0 : index
    %get3A_814 = arith.constant 0 : index
    %get3A_815 = vector.load %arg7[%get3A_812, %get3A_813, %get3A_814] : memref<8x64x256xf32, #tpu.memory_space<vmem>>, vector<1x64x256xf32>
    %get3A_816 = vector.shape_cast %get3A_815 : vector<1x64x256xf32> to vector<64x256xf32>
    %get3A_817 = arith.constant 0 : index
    %get3A_818 = arith.constant 0 : index
    %get3A_819 = vector.load %arg15[%get3A_817, %get3A_818] : memref<256x128xf32, #tpu.memory_space<vmem>>, vector<256x128xf32>
    %dot_general3A_820 = arith.constant dense<0.000000e+00> : vector<64x128xf32>
    %dot_general3A_821 = tpu.matmul %get3A_816, %get3A_819, %dot_general3A_820 {dimension_numbers = #tpu.dot_dimension_numbers<[1], [0], [0], [1], [0, 0, 1, 1], [], []>, transpose_lhs_hint = false} : vector<64x256xf32>, vector<256x128xf32>, vector<64x128xf32> -> vector<64x128xf32>
    %get3A_822 = arith.constant 0 : index
    %get3A_823 = arith.constant 0 : index
    %get3A_824 = vector.load %arg16[%get3A_822, %get3A_823] : memref<128x128xf32, #tpu.memory_space<vmem>>, vector<128x128xf32>
    %dot_general3A_825 = arith.constant dense<0.000000e+00> : vector<64x128xf32>
    %dot_general3A_826 = tpu.matmul %dot_general3A_797, %get3A_824, %dot_general3A_825 {dimension_numbers = #tpu.dot_dimension_numbers<[1], [0], [0], [1], [0, 0, 1, 1], [], []>, transpose_lhs_hint = false} : vector<64x128xf32>, vector<128x128xf32>, vector<64x128xf32> -> vector<64x128xf32>
    %add3A_827 = arith.addf %dot_general3A_821, %dot_general3A_826 : vector<64x128xf32>
    %get3A_828 = arith.constant 0 : index
    %get3A_829 = arith.constant 0 : index
    %get3A_830 = vector.load %arg17[%get3A_828, %get3A_829] : memref<1x128xf32, #tpu.memory_space<vmem>>, vector<1x128xf32>
    %add3A_831 = vector.broadcast %get3A_830 : vector<1x128xf32> to vector<64x128xf32>
    %add3A_832 = arith.addf %add3A_827, %add3A_831 : vector<64x128xf32>
    %logistic3A_833 = arith.negf %add3A_832 : vector<64x128xf32>
    %logistic3A_834 = math.exp %logistic3A_833 : vector<64x128xf32>
    %logistic3A_835 = arith.constant 1.000000e+00 : f32
    %logistic3A_836 = vector.broadcast %logistic3A_835 : f32 to vector<64x128xf32>
    %logistic3A_837 = arith.addf %logistic3A_836, %logistic3A_834 : vector<64x128xf32>
    %logistic3A_838 = arith.divf %logistic3A_836, %logistic3A_837 : vector<64x128xf32>
    %mul3A_839 = arith.mulf %add3A_832, %logistic3A_838 : vector<64x128xf32>
    %get3A_840 = arith.constant 0 : index
    %get3A_841 = arith.constant 0 : index
    %get3A_842 = vector.load %arg18[%get3A_840, %get3A_841] : memref<128x256xf32, #tpu.memory_space<vmem>>, vector<128x256xf32>
    %dot_general3A_843 = arith.constant dense<0.000000e+00> : vector<64x256xf32>
    %dot_general3A_844 = tpu.matmul %mul3A_839, %get3A_842, %dot_general3A_843 {dimension_numbers = #tpu.dot_dimension_numbers<[1], [0], [0], [1], [0, 0, 1, 1], [], []>, transpose_lhs_hint = false} : vector<64x128xf32>, vector<128x256xf32>, vector<64x256xf32> -> vector<64x256xf32>
    %get3A_845 = arith.constant 0 : index
    %get3A_846 = arith.constant 0 : index
    %get3A_847 = vector.load %arg19[%get3A_845, %get3A_846] : memref<1x256xf32, #tpu.memory_space<vmem>>, vector<1x256xf32>
    %add3A_848 = vector.broadcast %get3A_847 : vector<1x256xf32> to vector<64x256xf32>
    %add3A_849 = arith.addf %dot_general3A_844, %add3A_848 : vector<64x256xf32>
    %swap3A_850 = arith.constant 5 : index
    %swap3A_851 = arith.constant 0 : index
    %swap3A_852 = arith.constant 0 : index
    %swap3A_853 = vector.load %arg21[%swap3A_850, %swap3A_851, %swap3A_852] : memref<8x64x256xf32, #tpu.memory_space<vmem>>, vector<1x64x256xf32>
    %swap3A_854 = vector.shape_cast %swap3A_853 : vector<1x64x256xf32> to vector<64x256xf32>
    %swap3A_855 = vector.shape_cast %add3A_849 : vector<64x256xf32> to vector<1x64x256xf32>
    tpu.vector_store %arg21[%swap3A_850, %swap3A_851, %swap3A_852], %swap3A_855 {strides = array<i32>} : memref<8x64x256xf32, #tpu.memory_space<vmem>>, vector<1x64x256xf32>,
    %get3A_856 = arith.constant 6144 : index
    %get3A_857 = arith.constant 0 : index
    %get3A_858 = vector.load %arg0[%get3A_856, %get3A_857] : memref<8192x128xf32, #tpu.memory_space<vmem>>, vector<1024x128xf32>
    %get3A_859 = arith.constant 6 : index
    %get3A_860 = arith.constant 0 : index
    %get3A_861 = arith.constant 0 : index
    %get3A_862 = vector.load %arg6[%get3A_859, %get3A_860, %get3A_861] : memref<8x64x3xf32, #tpu.memory_space<vmem>>, vector<1x64x3xf32>
    %get3A_863 = vector.shape_cast %get3A_862 : vector<1x64x3xf32> to vector<64x3xf32>
    %dot_general3A_864 = arith.constant dense<0.000000e+00> : vector<1024x3xf32>
    %dot_general3A_865 = tpu.matmul %convert_element_type3A_3, %get3A_863, %dot_general3A_864 {dimension_numbers = #tpu.dot_dimension_numbers<[1], [0], [0], [1], [0, 0, 1, 1], [], []>, transpose_lhs_hint = false} : vector<1024x64xf32>, vector<64x3xf32>, vector<1024x3xf32> -> vector<1024x3xf32>
    %dot_general3A_866 = arith.constant dense<0.000000e+00> : vector<1024x3xf32>
    %dot_general3A_867 = tpu.matmul %convert_element_type3A_10, %get3A_863, %dot_general3A_866 {dimension_numbers = #tpu.dot_dimension_numbers<[1], [0], [0], [1], [0, 0, 1, 1], [], []>, transpose_lhs_hint = false} : vector<1024x64xf32>, vector<64x3xf32>, vector<1024x3xf32> -> vector<1024x3xf32>
    %sub3A_868 = arith.subf %dot_general3A_865, %dot_general3A_867 : vector<1024x3xf32>
    %mul3A_869 = arith.mulf %sub3A_868, %sub3A_868 : vector<1024x3xf32>
    %reduce_sum3A_870 = arith.constant dense<0.000000e+00> : vector<1024xf32>
    %reduce_sum3A_871 = vector.multi_reduction <add>, %mul3A_869, %reduce_sum3A_870 [1] : vector<1024x3xf32> to vector<1024xf32>
    %broadcast_in_dim3A_872 = vector.shape_cast %reduce_sum3A_871 : vector<1024xf32> to vector<1024x1xf32>
    %sqrt3A_873 = math.sqrt %broadcast_in_dim3A_872 : vector<1024x1xf32>
    %get3A_874 = arith.constant 0 : index
    %get3A_875 = arith.constant 0 : index
    %get3A_876 = vector.load %arg8[%get3A_874, %get3A_875] : memref<1x128xf32, #tpu.memory_space<vmem>>, vector<1x128xf32>
    %mul3A_877 = vector.broadcast %sqrt3A_873 : vector<1024x1xf32> to vector<1024x128xf32>
    %mul3A_878 = vector.broadcast %get3A_876 : vector<1x128xf32> to vector<1024x128xf32>
    %mul3A_879 = arith.mulf %mul3A_877, %mul3A_878 : vector<1024x128xf32>
    %add3A_880 = arith.addf %get3A_858, %mul3A_879 : vector<1024x128xf32>
    %get3A_881 = arith.constant 0 : index
    %get3A_882 = arith.constant 0 : index
    %get3A_883 = vector.load %arg9[%get3A_881, %get3A_882] : memref<1x128xf32, #tpu.memory_space<vmem>>, vector<1x128xf32>
    %add3A_884 = vector.broadcast %get3A_883 : vector<1x128xf32> to vector<1024x128xf32>
    %add3A_885 = arith.addf %add3A_880, %add3A_884 : vector<1024x128xf32>
    %logistic3A_886 = arith.negf %add3A_885 : vector<1024x128xf32>
    %logistic3A_887 = math.exp %logistic3A_886 : vector<1024x128xf32>
    %logistic3A_888 = arith.constant 1.000000e+00 : f32
    %logistic3A_889 = vector.broadcast %logistic3A_888 : f32 to vector<1024x128xf32>
    %logistic3A_890 = arith.addf %logistic3A_889, %logistic3A_887 : vector<1024x128xf32>
    %logistic3A_891 = arith.divf %logistic3A_889, %logistic3A_890 : vector<1024x128xf32>
    %mul3A_892 = arith.mulf %add3A_885, %logistic3A_891 : vector<1024x128xf32>
    %get3A_893 = arith.constant 0 : index
    %get3A_894 = arith.constant 0 : index
    %get3A_895 = vector.load %arg10[%get3A_893, %get3A_894] : memref<128x128xf32, #tpu.memory_space<vmem>>, vector<128x128xf32>
    %dot_general3A_896 = arith.constant dense<0.000000e+00> : vector<1024x128xf32>
    %dot_general3A_897 = tpu.matmul %mul3A_892, %get3A_895, %dot_general3A_896 {dimension_numbers = #tpu.dot_dimension_numbers<[1], [0], [0], [1], [0, 0, 1, 1], [], []>, transpose_lhs_hint = false} : vector<1024x128xf32>, vector<128x128xf32>, vector<1024x128xf32> -> vector<1024x128xf32>
    %get3A_898 = arith.constant 0 : index
    %get3A_899 = arith.constant 0 : index
    %get3A_900 = vector.load %arg11[%get3A_898, %get3A_899] : memref<1x128xf32, #tpu.memory_space<vmem>>, vector<1x128xf32>
    %add3A_901 = vector.broadcast %get3A_900 : vector<1x128xf32> to vector<1024x128xf32>
    %add3A_902 = arith.addf %dot_general3A_897, %add3A_901 : vector<1024x128xf32>
    %logistic3A_903 = arith.negf %add3A_902 : vector<1024x128xf32>
    %logistic3A_904 = math.exp %logistic3A_903 : vector<1024x128xf32>
    %logistic3A_905 = arith.constant 1.000000e+00 : f32
    %logistic3A_906 = vector.broadcast %logistic3A_905 : f32 to vector<1024x128xf32>
    %logistic3A_907 = arith.addf %logistic3A_906, %logistic3A_904 : vector<1024x128xf32>
    %logistic3A_908 = arith.divf %logistic3A_906, %logistic3A_907 : vector<1024x128xf32>
    %mul3A_909 = arith.mulf %add3A_902, %logistic3A_908 : vector<1024x128xf32>
    %get3A_910 = arith.constant 0 : index
    %get3A_911 = arith.constant 0 : index
    %get3A_912 = vector.load %arg12[%get3A_910, %get3A_911] : memref<128x128xf32, #tpu.memory_space<vmem>>, vector<128x128xf32>
    %dot_general3A_913 = arith.constant dense<0.000000e+00> : vector<1024x128xf32>
    %dot_general3A_914 = tpu.matmul %mul3A_909, %get3A_912, %dot_general3A_913 {dimension_numbers = #tpu.dot_dimension_numbers<[1], [0], [0], [1], [0, 0, 1, 1], [], []>, transpose_lhs_hint = false} : vector<1024x128xf32>, vector<128x128xf32>, vector<1024x128xf32> -> vector<1024x128xf32>
    %get3A_915 = arith.constant 0 : index
    %get3A_916 = arith.constant 0 : index
    %get3A_917 = vector.load %arg13[%get3A_915, %get3A_916] : memref<1x128xf32, #tpu.memory_space<vmem>>, vector<1x128xf32>
    %add3A_918 = vector.broadcast %get3A_917 : vector<1x128xf32> to vector<1024x128xf32>
    %add3A_919 = arith.addf %dot_general3A_914, %add3A_918 : vector<1024x128xf32>
    %logistic3A_920 = arith.negf %add3A_919 : vector<1024x128xf32>
    %logistic3A_921 = math.exp %logistic3A_920 : vector<1024x128xf32>
    %logistic3A_922 = arith.constant 1.000000e+00 : f32
    %logistic3A_923 = vector.broadcast %logistic3A_922 : f32 to vector<1024x128xf32>
    %logistic3A_924 = arith.addf %logistic3A_923, %logistic3A_921 : vector<1024x128xf32>
    %logistic3A_925 = arith.divf %logistic3A_923, %logistic3A_924 : vector<1024x128xf32>
    %mul3A_926 = arith.mulf %add3A_919, %logistic3A_925 : vector<1024x128xf32>
    %get3A_927 = arith.constant 0 : index
    %get3A_928 = arith.constant 0 : index
    %get3A_929 = vector.load %arg14[%get3A_927, %get3A_928] : memref<1x128xf32, #tpu.memory_space<vmem>>, vector<1x128xf32>
    %mul3A_930 = vector.broadcast %get3A_929 : vector<1x128xf32> to vector<1024x128xf32>
    %mul3A_931 = arith.mulf %mul3A_926, %mul3A_930 : vector<1024x128xf32>
    %reduce_sum3A_932 = arith.constant dense<0.000000e+00> : vector<1024xf32>
    %reduce_sum3A_933 = vector.multi_reduction <add>, %mul3A_931, %reduce_sum3A_932 [1] : vector<1024x128xf32> to vector<1024xf32>
    %broadcast_in_dim3A_934 = vector.shape_cast %reduce_sum3A_933 : vector<1024xf32> to vector<1024x1xf32>
    %mul3A_935 = vector.broadcast %get3A_16 : vector<1024x1xf32> to vector<1024x128xf32>
    %mul3A_936 = arith.mulf %mul3A_909, %mul3A_935 : vector<1024x128xf32>
    %dot_general3A_937 = arith.constant dense<0.000000e+00> : vector<64x128xf32>
    %dot_general3A_938 = tpu.matmul %get3A_13, %mul3A_936, %dot_general3A_937 {dimension_numbers = #tpu.dot_dimension_numbers<[1], [0], [0], [1], [0, 0, 1, 1], [], []>, transpose_lhs_hint = false} : vector<64x1024xf32>, vector<1024x128xf32>, vector<64x128xf32> -> vector<64x128xf32>
    %mul3A_939 = arith.mulf %broadcast_in_dim3A_934, %get3A_16 : vector<1024x1xf32>
    %mul3A_940 = vector.broadcast %mul3A_939 : vector<1024x1xf32> to vector<1024x3xf32>
    %mul3A_941 = arith.mulf %sub3A_868, %mul3A_940 : vector<1024x3xf32>
    %dot_general3A_942 = arith.constant dense<0.000000e+00> : vector<64x3xf32>
    %dot_general3A_943 = tpu.matmul %get3A_13, %mul3A_941, %dot_general3A_942 {dimension_numbers = #tpu.dot_dimension_numbers<[1], [0], [0], [1], [0, 0, 1, 1], [], []>, transpose_lhs_hint = false} : vector<64x1024xf32>, vector<1024x3xf32>, vector<64x3xf32> -> vector<64x3xf32>
    %div3A_944 = vector.broadcast %get3A_19 : vector<64x1xf32> to vector<64x3xf32>
    %div3A_945 = arith.divf %dot_general3A_943, %div3A_944 : vector<64x3xf32>
    %add3A_946 = arith.addf %get3A_863, %div3A_945 : vector<64x3xf32>
    %swap3A_947 = arith.constant 6 : index
    %swap3A_948 = arith.constant 0 : index
    %swap3A_949 = arith.constant 0 : index
    %swap3A_950 = vector.load %arg20[%swap3A_947, %swap3A_948, %swap3A_949] : memref<8x64x3xf32, #tpu.memory_space<vmem>>, vector<1x64x3xf32>
    %swap3A_951 = vector.shape_cast %swap3A_950 : vector<1x64x3xf32> to vector<64x3xf32>
    %swap3A_952 = vector.shape_cast %add3A_946 : vector<64x3xf32> to vector<1x64x3xf32>
    tpu.vector_store %arg20[%swap3A_947, %swap3A_948, %swap3A_949], %swap3A_952 {strides = array<i32>} : memref<8x64x3xf32, #tpu.memory_space<vmem>>, vector<1x64x3xf32>,
    %get3A_953 = arith.constant 6 : index
    %get3A_954 = arith.constant 0 : index
    %get3A_955 = arith.constant 0 : index
    %get3A_956 = vector.load %arg7[%get3A_953, %get3A_954, %get3A_955] : memref<8x64x256xf32, #tpu.memory_space<vmem>>, vector<1x64x256xf32>
    %get3A_957 = vector.shape_cast %get3A_956 : vector<1x64x256xf32> to vector<64x256xf32>
    %get3A_958 = arith.constant 0 : index
    %get3A_959 = arith.constant 0 : index
    %get3A_960 = vector.load %arg15[%get3A_958, %get3A_959] : memref<256x128xf32, #tpu.memory_space<vmem>>, vector<256x128xf32>
    %dot_general3A_961 = arith.constant dense<0.000000e+00> : vector<64x128xf32>
    %dot_general3A_962 = tpu.matmul %get3A_957, %get3A_960, %dot_general3A_961 {dimension_numbers = #tpu.dot_dimension_numbers<[1], [0], [0], [1], [0, 0, 1, 1], [], []>, transpose_lhs_hint = false} : vector<64x256xf32>, vector<256x128xf32>, vector<64x128xf32> -> vector<64x128xf32>
    %get3A_963 = arith.constant 0 : index
    %get3A_964 = arith.constant 0 : index
    %get3A_965 = vector.load %arg16[%get3A_963, %get3A_964] : memref<128x128xf32, #tpu.memory_space<vmem>>, vector<128x128xf32>
    %dot_general3A_966 = arith.constant dense<0.000000e+00> : vector<64x128xf32>
    %dot_general3A_967 = tpu.matmul %dot_general3A_938, %get3A_965, %dot_general3A_966 {dimension_numbers = #tpu.dot_dimension_numbers<[1], [0], [0], [1], [0, 0, 1, 1], [], []>, transpose_lhs_hint = false} : vector<64x128xf32>, vector<128x128xf32>, vector<64x128xf32> -> vector<64x128xf32>
    %add3A_968 = arith.addf %dot_general3A_962, %dot_general3A_967 : vector<64x128xf32>
    %get3A_969 = arith.constant 0 : index
    %get3A_970 = arith.constant 0 : index
    %get3A_971 = vector.load %arg17[%get3A_969, %get3A_970] : memref<1x128xf32, #tpu.memory_space<vmem>>, vector<1x128xf32>
    %add3A_972 = vector.broadcast %get3A_971 : vector<1x128xf32> to vector<64x128xf32>
    %add3A_973 = arith.addf %add3A_968, %add3A_972 : vector<64x128xf32>
    %logistic3A_974 = arith.negf %add3A_973 : vector<64x128xf32>
    %logistic3A_975 = math.exp %logistic3A_974 : vector<64x128xf32>
    %logistic3A_976 = arith.constant 1.000000e+00 : f32
    %logistic3A_977 = vector.broadcast %logistic3A_976 : f32 to vector<64x128xf32>
    %logistic3A_978 = arith.addf %logistic3A_977, %logistic3A_975 : vector<64x128xf32>
    %logistic3A_979 = arith.divf %logistic3A_977, %logistic3A_978 : vector<64x128xf32>
    %mul3A_980 = arith.mulf %add3A_973, %logistic3A_979 : vector<64x128xf32>
    %get3A_981 = arith.constant 0 : index
    %get3A_982 = arith.constant 0 : index
    %get3A_983 = vector.load %arg18[%get3A_981, %get3A_982] : memref<128x256xf32, #tpu.memory_space<vmem>>, vector<128x256xf32>
    %dot_general3A_984 = arith.constant dense<0.000000e+00> : vector<64x256xf32>
    %dot_general3A_985 = tpu.matmul %mul3A_980, %get3A_983, %dot_general3A_984 {dimension_numbers = #tpu.dot_dimension_numbers<[1], [0], [0], [1], [0, 0, 1, 1], [], []>, transpose_lhs_hint = false} : vector<64x128xf32>, vector<128x256xf32>, vector<64x256xf32> -> vector<64x256xf32>
    %get3A_986 = arith.constant 0 : index
    %get3A_987 = arith.constant 0 : index
    %get3A_988 = vector.load %arg19[%get3A_986, %get3A_987] : memref<1x256xf32, #tpu.memory_space<vmem>>, vector<1x256xf32>
    %add3A_989 = vector.broadcast %get3A_988 : vector<1x256xf32> to vector<64x256xf32>
    %add3A_990 = arith.addf %dot_general3A_985, %add3A_989 : vector<64x256xf32>
    %swap3A_991 = arith.constant 6 : index
    %swap3A_992 = arith.constant 0 : index
    %swap3A_993 = arith.constant 0 : index
    %swap3A_994 = vector.load %arg21[%swap3A_991, %swap3A_992, %swap3A_993] : memref<8x64x256xf32, #tpu.memory_space<vmem>>, vector<1x64x256xf32>
    %swap3A_995 = vector.shape_cast %swap3A_994 : vector<1x64x256xf32> to vector<64x256xf32>
    %swap3A_996 = vector.shape_cast %add3A_990 : vector<64x256xf32> to vector<1x64x256xf32>
    tpu.vector_store %arg21[%swap3A_991, %swap3A_992, %swap3A_993], %swap3A_996 {strides = array<i32>} : memref<8x64x256xf32, #tpu.memory_space<vmem>>, vector<1x64x256xf32>,
    %get3A_997 = arith.constant 7168 : index
    %get3A_998 = arith.constant 0 : index
    %get3A_999 = vector.load %arg0[%get3A_997, %get3A_998] : memref<8192x128xf32, #tpu.memory_space<vmem>>, vector<1024x128xf32>
    %get3A_1000 = arith.constant 7 : index
    %get3A_1001 = arith.constant 0 : index
    %get3A_1002 = arith.constant 0 : index
    %get3A_1003 = vector.load %arg6[%get3A_1000, %get3A_1001, %get3A_1002] : memref<8x64x3xf32, #tpu.memory_space<vmem>>, vector<1x64x3xf32>
    %get3A_1004 = vector.shape_cast %get3A_1003 : vector<1x64x3xf32> to vector<64x3xf32>
    %dot_general3A_1005 = arith.constant dense<0.000000e+00> : vector<1024x3xf32>
    %dot_general3A_1006 = tpu.matmul %convert_element_type3A_3, %get3A_1004, %dot_general3A_1005 {dimension_numbers = #tpu.dot_dimension_numbers<[1], [0], [0], [1], [0, 0, 1, 1], [], []>, transpose_lhs_hint = false} : vector<1024x64xf32>, vector<64x3xf32>, vector<1024x3xf32> -> vector<1024x3xf32>
    %dot_general3A_1007 = arith.constant dense<0.000000e+00> : vector<1024x3xf32>
    %dot_general3A_1008 = tpu.matmul %convert_element_type3A_10, %get3A_1004, %dot_general3A_1007 {dimension_numbers = #tpu.dot_dimension_numbers<[1], [0], [0], [1], [0, 0, 1, 1], [], []>, transpose_lhs_hint = false} : vector<1024x64xf32>, vector<64x3xf32>, vector<1024x3xf32> -> vector<1024x3xf32>
    %sub3A_1009 = arith.subf %dot_general3A_1006, %dot_general3A_1008 : vector<1024x3xf32>
    %mul3A_1010 = arith.mulf %sub3A_1009, %sub3A_1009 : vector<1024x3xf32>
    %reduce_sum3A_1011 = arith.constant dense<0.000000e+00> : vector<1024xf32>
    %reduce_sum3A_1012 = vector.multi_reduction <add>, %mul3A_1010, %reduce_sum3A_1011 [1] : vector<1024x3xf32> to vector<1024xf32>
    %broadcast_in_dim3A_1013 = vector.shape_cast %reduce_sum3A_1012 : vector<1024xf32> to vector<1024x1xf32>
    %sqrt3A_1014 = math.sqrt %broadcast_in_dim3A_1013 : vector<1024x1xf32>
    %get3A_1015 = arith.constant 0 : index
    %get3A_1016 = arith.constant 0 : index
    %get3A_1017 = vector.load %arg8[%get3A_1015, %get3A_1016] : memref<1x128xf32, #tpu.memory_space<vmem>>, vector<1x128xf32>
    %mul3A_1018 = vector.broadcast %sqrt3A_1014 : vector<1024x1xf32> to vector<1024x128xf32>
    %mul3A_1019 = vector.broadcast %get3A_1017 : vector<1x128xf32> to vector<1024x128xf32>
    %mul3A_1020 = arith.mulf %mul3A_1018, %mul3A_1019 : vector<1024x128xf32>
    %add3A_1021 = arith.addf %get3A_999, %mul3A_1020 : vector<1024x128xf32>
    %get3A_1022 = arith.constant 0 : index
    %get3A_1023 = arith.constant 0 : index
    %get3A_1024 = vector.load %arg9[%get3A_1022, %get3A_1023] : memref<1x128xf32, #tpu.memory_space<vmem>>, vector<1x128xf32>
    %add3A_1025 = vector.broadcast %get3A_1024 : vector<1x128xf32> to vector<1024x128xf32>
    %add3A_1026 = arith.addf %add3A_1021, %add3A_1025 : vector<1024x128xf32>
    %logistic3A_1027 = arith.negf %add3A_1026 : vector<1024x128xf32>
    %logistic3A_1028 = math.exp %logistic3A_1027 : vector<1024x128xf32>
    %logistic3A_1029 = arith.constant 1.000000e+00 : f32
    %logistic3A_1030 = vector.broadcast %logistic3A_1029 : f32 to vector<1024x128xf32>
    %logistic3A_1031 = arith.addf %logistic3A_1030, %logistic3A_1028 : vector<1024x128xf32>
    %logistic3A_1032 = arith.divf %logistic3A_1030, %logistic3A_1031 : vector<1024x128xf32>
    %mul3A_1033 = arith.mulf %add3A_1026, %logistic3A_1032 : vector<1024x128xf32>
    %get3A_1034 = arith.constant 0 : index
    %get3A_1035 = arith.constant 0 : index
    %get3A_1036 = vector.load %arg10[%get3A_1034, %get3A_1035] : memref<128x128xf32, #tpu.memory_space<vmem>>, vector<128x128xf32>
    %dot_general3A_1037 = arith.constant dense<0.000000e+00> : vector<1024x128xf32>
    %dot_general3A_1038 = tpu.matmul %mul3A_1033, %get3A_1036, %dot_general3A_1037 {dimension_numbers = #tpu.dot_dimension_numbers<[1], [0], [0], [1], [0, 0, 1, 1], [], []>, transpose_lhs_hint = false} : vector<1024x128xf32>, vector<128x128xf32>, vector<1024x128xf32> -> vector<1024x128xf32>
    %get3A_1039 = arith.constant 0 : index
    %get3A_1040 = arith.constant 0 : index
    %get3A_1041 = vector.load %arg11[%get3A_1039, %get3A_1040] : memref<1x128xf32, #tpu.memory_space<vmem>>, vector<1x128xf32>
    %add3A_1042 = vector.broadcast %get3A_1041 : vector<1x128xf32> to vector<1024x128xf32>
    %add3A_1043 = arith.addf %dot_general3A_1038, %add3A_1042 : vector<1024x128xf32>
    %logistic3A_1044 = arith.negf %add3A_1043 : vector<1024x128xf32>
    %logistic3A_1045 = math.exp %logistic3A_1044 : vector<1024x128xf32>
    %logistic3A_1046 = arith.constant 1.000000e+00 : f32
    %logistic3A_1047 = vector.broadcast %logistic3A_1046 : f32 to vector<1024x128xf32>
    %logistic3A_1048 = arith.addf %logistic3A_1047, %logistic3A_1045 : vector<1024x128xf32>
    %logistic3A_1049 = arith.divf %logistic3A_1047, %logistic3A_1048 : vector<1024x128xf32>
    %mul3A_1050 = arith.mulf %add3A_1043, %logistic3A_1049 : vector<1024x128xf32>
    %get3A_1051 = arith.constant 0 : index
    %get3A_1052 = arith.constant 0 : index
    %get3A_1053 = vector.load %arg12[%get3A_1051, %get3A_1052] : memref<128x128xf32, #tpu.memory_space<vmem>>, vector<128x128xf32>
    %dot_general3A_1054 = arith.constant dense<0.000000e+00> : vector<1024x128xf32>
    %dot_general3A_1055 = tpu.matmul %mul3A_1050, %get3A_1053, %dot_general3A_1054 {dimension_numbers = #tpu.dot_dimension_numbers<[1], [0], [0], [1], [0, 0, 1, 1], [], []>, transpose_lhs_hint = false} : vector<1024x128xf32>, vector<128x128xf32>, vector<1024x128xf32> -> vector<1024x128xf32>
    %get3A_1056 = arith.constant 0 : index
    %get3A_1057 = arith.constant 0 : index
    %get3A_1058 = vector.load %arg13[%get3A_1056, %get3A_1057] : memref<1x128xf32, #tpu.memory_space<vmem>>, vector<1x128xf32>
    %add3A_1059 = vector.broadcast %get3A_1058 : vector<1x128xf32> to vector<1024x128xf32>
    %add3A_1060 = arith.addf %dot_general3A_1055, %add3A_1059 : vector<1024x128xf32>
    %logistic3A_1061 = arith.negf %add3A_1060 : vector<1024x128xf32>
    %logistic3A_1062 = math.exp %logistic3A_1061 : vector<1024x128xf32>
    %logistic3A_1063 = arith.constant 1.000000e+00 : f32
    %logistic3A_1064 = vector.broadcast %logistic3A_1063 : f32 to vector<1024x128xf32>
    %logistic3A_1065 = arith.addf %logistic3A_1064, %logistic3A_1062 : vector<1024x128xf32>
    %logistic3A_1066 = arith.divf %logistic3A_1064, %logistic3A_1065 : vector<1024x128xf32>
    %mul3A_1067 = arith.mulf %add3A_1060, %logistic3A_1066 : vector<1024x128xf32>
    %get3A_1068 = arith.constant 0 : index
    %get3A_1069 = arith.constant 0 : index
    %get3A_1070 = vector.load %arg14[%get3A_1068, %get3A_1069] : memref<1x128xf32, #tpu.memory_space<vmem>>, vector<1x128xf32>
    %mul3A_1071 = vector.broadcast %get3A_1070 : vector<1x128xf32> to vector<1024x128xf32>
    %mul3A_1072 = arith.mulf %mul3A_1067, %mul3A_1071 : vector<1024x128xf32>
    %reduce_sum3A_1073 = arith.constant dense<0.000000e+00> : vector<1024xf32>
    %reduce_sum3A_1074 = vector.multi_reduction <add>, %mul3A_1072, %reduce_sum3A_1073 [1] : vector<1024x128xf32> to vector<1024xf32>
    %broadcast_in_dim3A_1075 = vector.shape_cast %reduce_sum3A_1074 : vector<1024xf32> to vector<1024x1xf32>
    %mul3A_1076 = vector.broadcast %get3A_16 : vector<1024x1xf32> to vector<1024x128xf32>
    %mul3A_1077 = arith.mulf %mul3A_1050, %mul3A_1076 : vector<1024x128xf32>
    %dot_general3A_1078 = arith.constant dense<0.000000e+00> : vector<64x128xf32>
    %dot_general3A_1079 = tpu.matmul %get3A_13, %mul3A_1077, %dot_general3A_1078 {dimension_numbers = #tpu.dot_dimension_numbers<[1], [0], [0], [1], [0, 0, 1, 1], [], []>, transpose_lhs_hint = false} : vector<64x1024xf32>, vector<1024x128xf32>, vector<64x128xf32> -> vector<64x128xf32>
    %mul3A_1080 = arith.mulf %broadcast_in_dim3A_1075, %get3A_16 : vector<1024x1xf32>
    %mul3A_1081 = vector.broadcast %mul3A_1080 : vector<1024x1xf32> to vector<1024x3xf32>
    %mul3A_1082 = arith.mulf %sub3A_1009, %mul3A_1081 : vector<1024x3xf32>
    %dot_general3A_1083 = arith.constant dense<0.000000e+00> : vector<64x3xf32>
    %dot_general3A_1084 = tpu.matmul %get3A_13, %mul3A_1082, %dot_general3A_1083 {dimension_numbers = #tpu.dot_dimension_numbers<[1], [0], [0], [1], [0, 0, 1, 1], [], []>, transpose_lhs_hint = false} : vector<64x1024xf32>, vector<1024x3xf32>, vector<64x3xf32> -> vector<64x3xf32>
    %div3A_1085 = vector.broadcast %get3A_19 : vector<64x1xf32> to vector<64x3xf32>
    %div3A_1086 = arith.divf %dot_general3A_1084, %div3A_1085 : vector<64x3xf32>
    %add3A_1087 = arith.addf %get3A_1004, %div3A_1086 : vector<64x3xf32>
    %swap3A_1088 = arith.constant 7 : index
    %swap3A_1089 = arith.constant 0 : index
    %swap3A_1090 = arith.constant 0 : index
    %swap3A_1091 = vector.load %arg20[%swap3A_1088, %swap3A_1089, %swap3A_1090] : memref<8x64x3xf32, #tpu.memory_space<vmem>>, vector<1x64x3xf32>
    %swap3A_1092 = vector.shape_cast %swap3A_1091 : vector<1x64x3xf32> to vector<64x3xf32>
    %swap3A_1093 = vector.shape_cast %add3A_1087 : vector<64x3xf32> to vector<1x64x3xf32>
    tpu.vector_store %arg20[%swap3A_1088, %swap3A_1089, %swap3A_1090], %swap3A_1093 {strides = array<i32>} : memref<8x64x3xf32, #tpu.memory_space<vmem>>, vector<1x64x3xf32>,
    %get3A_1094 = arith.constant 7 : index
    %get3A_1095 = arith.constant 0 : index
    %get3A_1096 = arith.constant 0 : index
    %get3A_1097 = vector.load %arg7[%get3A_1094, %get3A_1095, %get3A_1096] : memref<8x64x256xf32, #tpu.memory_space<vmem>>, vector<1x64x256xf32>
    %get3A_1098 = vector.shape_cast %get3A_1097 : vector<1x64x256xf32> to vector<64x256xf32>
    %get3A_1099 = arith.constant 0 : index
    %get3A_1100 = arith.constant 0 : index
    %get3A_1101 = vector.load %arg15[%get3A_1099, %get3A_1100] : memref<256x128xf32, #tpu.memory_space<vmem>>, vector<256x128xf32>
    %dot_general3A_1102 = arith.constant dense<0.000000e+00> : vector<64x128xf32>
    %dot_general3A_1103 = tpu.matmul %get3A_1098, %get3A_1101, %dot_general3A_1102 {dimension_numbers = #tpu.dot_dimension_numbers<[1], [0], [0], [1], [0, 0, 1, 1], [], []>, transpose_lhs_hint = false} : vector<64x256xf32>, vector<256x128xf32>, vector<64x128xf32> -> vector<64x128xf32>
    %get3A_1104 = arith.constant 0 : index
    %get3A_1105 = arith.constant 0 : index
    %get3A_1106 = vector.load %arg16[%get3A_1104, %get3A_1105] : memref<128x128xf32, #tpu.memory_space<vmem>>, vector<128x128xf32>
    %dot_general3A_1107 = arith.constant dense<0.000000e+00> : vector<64x128xf32>
    %dot_general3A_1108 = tpu.matmul %dot_general3A_1079, %get3A_1106, %dot_general3A_1107 {dimension_numbers = #tpu.dot_dimension_numbers<[1], [0], [0], [1], [0, 0, 1, 1], [], []>, transpose_lhs_hint = false} : vector<64x128xf32>, vector<128x128xf32>, vector<64x128xf32> -> vector<64x128xf32>
    %add3A_1109 = arith.addf %dot_general3A_1103, %dot_general3A_1108 : vector<64x128xf32>
    %get3A_1110 = arith.constant 0 : index
    %get3A_1111 = arith.constant 0 : index
    %get3A_1112 = vector.load %arg17[%get3A_1110, %get3A_1111] : memref<1x128xf32, #tpu.memory_space<vmem>>, vector<1x128xf32>
    %add3A_1113 = vector.broadcast %get3A_1112 : vector<1x128xf32> to vector<64x128xf32>
    %add3A_1114 = arith.addf %add3A_1109, %add3A_1113 : vector<64x128xf32>
    %logistic3A_1115 = arith.negf %add3A_1114 : vector<64x128xf32>
    %logistic3A_1116 = math.exp %logistic3A_1115 : vector<64x128xf32>
    %logistic3A_1117 = arith.constant 1.000000e+00 : f32
    %logistic3A_1118 = vector.broadcast %logistic3A_1117 : f32 to vector<64x128xf32>
    %logistic3A_1119 = arith.addf %logistic3A_1118, %logistic3A_1116 : vector<64x128xf32>
    %logistic3A_1120 = arith.divf %logistic3A_1118, %logistic3A_1119 : vector<64x128xf32>
    %mul3A_1121 = arith.mulf %add3A_1114, %logistic3A_1120 : vector<64x128xf32>
    %get3A_1122 = arith.constant 0 : index
    %get3A_1123 = arith.constant 0 : index
    %get3A_1124 = vector.load %arg18[%get3A_1122, %get3A_1123] : memref<128x256xf32, #tpu.memory_space<vmem>>, vector<128x256xf32>
    %dot_general3A_1125 = arith.constant dense<0.000000e+00> : vector<64x256xf32>
    %dot_general3A_1126 = tpu.matmul %mul3A_1121, %get3A_1124, %dot_general3A_1125 {dimension_numbers = #tpu.dot_dimension_numbers<[1], [0], [0], [1], [0, 0, 1, 1], [], []>, transpose_lhs_hint = false} : vector<64x128xf32>, vector<128x256xf32>, vector<64x256xf32> -> vector<64x256xf32>
    %get3A_1127 = arith.constant 0 : index
    %get3A_1128 = arith.constant 0 : index
    %get3A_1129 = vector.load %arg19[%get3A_1127, %get3A_1128] : memref<1x256xf32, #tpu.memory_space<vmem>>, vector<1x256xf32>
    %add3A_1130 = vector.broadcast %get3A_1129 : vector<1x256xf32> to vector<64x256xf32>
    %add3A_1131 = arith.addf %dot_general3A_1126, %add3A_1130 : vector<64x256xf32>
    %swap3A_1132 = arith.constant 7 : index
    %swap3A_1133 = arith.constant 0 : index
    %swap3A_1134 = arith.constant 0 : index
    %swap3A_1135 = vector.load %arg21[%swap3A_1132, %swap3A_1133, %swap3A_1134] : memref<8x64x256xf32, #tpu.memory_space<vmem>>, vector<1x64x256xf32>
    %swap3A_1136 = vector.shape_cast %swap3A_1135 : vector<1x64x256xf32> to vector<64x256xf32>
    %swap3A_1137 = vector.shape_cast %add3A_1131 : vector<64x256xf32> to vector<1x64x256xf32>
    tpu.vector_store %arg21[%swap3A_1132, %swap3A_1133, %swap3A_1134], %swap3A_1137 {strides = array<i32>} : memref<8x64x256xf32, #tpu.memory_space<vmem>>, vector<1x64x256xf32>,
    return
  }
}

</mosaic_0001>

<sc_bundles>
// kernel: kernel.6.cloned.1.call-start
scs
__scs_entry_jumppad:
0x0: {  	(pc) =	sbr.rel $0x88, $3  }
0x1: {  	(tag) =	ssettag $0x0;
	lr =	simm.s32 $0x1  }
0x2: {  	[smem:$0x3F93] =	sst lr;
	_ =	strace $0xD0000000  }
0x3: {  	_ = 	snop  }
0x4: {  	_ = 	snop  }
0x5: {  	_ = 	snop  }
0x6: {  	_ = 	snop  }
0x7: {  	_ = 	snop  }
__scs_overlays_trampoline_lowered:
0x8: {  	[smem:$0x3FA2] =	sst s0  }
0x9: {  	[smem:$0x3FA3] =	sst s1  }
0xa: {  	[smem:$0x3FA4] =	sst s2  }
0xb: {  	[smem:$0x3FA5] =	sst s3  }
0xc: {  	[smem:$0x3FA6] =	sst s4  }
0xd: {  	[smem:$0x3FA7] =	sst s5  }
0xe: {  	[smem:$0x3FA8] =	sst s6  }
0xf: {  	[smem:$0x3FA9] =	sst s7  }
0x10: {  	[smem:$0x3FAA] =	sst s8  }
0x11: {  	[smem:$0x3FAB] =	sst s9;
	s0 =	simm.s32 @!p0 $0x0  }
0x12: {  	s1 =	sld [smem:$0x3F91];
	s0 =	simm.s32 @p0 $0x1  }
0x13: {  	[smem:$0x3FAC] =	sst s0;
	s0 =	simm.s32 @!p1 $0x0  }
0x14: {  	s2 =	sld [smem:$0x3F90];
	s0 =	simm.s32 @p1 $0x1  }
0x15: {  	[smem:$0x3FAD] =	sst s0;
	s0 =	simm.s32 @!p2 $0x0  }
0x16: {  	s3 =	sld [smem:$0x3FDB];
	s0 =	simm.s32 @p2 $0x1  }
0x17: {  	s4 =	simm.s32 $0x1BF5;
	[smem:$0x3FAF] =	sst s0  }
0x18: {  	s0 =	sld [smem:$0x3F92];
	_ =	swait.ge [sflag:s4], $0x0  }
0x19: {  	s7 =	sld [smem:$0x3F93]  }
0x1a: {  	s8 =	sadd.s32 $0xFFFFE003, lr  }
0x1b: {  	s9 =	sadd.s32 $0xFFFFFEF7, lr;
	s5 =	simm.s32 $0xFFFFFFFF;
	p2 =	slt.u32 s8, $0xFFFFF086  }
0x1c: {  	p1 =	slt.u32 s9, $0xF7A;
	s5 =	simm.s32 @!p2 $0x0  }
0x1d: {  	s5 =	simm.s32 @p1 $0x1;
	p0 =	seq.s32 s7, s2  }
0x1e: {  	s7 =	smul.u32 @!p0 $0xF7A, s2;
	p2 =	seq.s32 @!p0 s5, $0x0  }
0x1f: {  	s9 =	smul.u32 $0xF7A, s1;
	s8 =	simm.s32 @!p0 $0x1BF5;
	p2 =	por !p2, p0  }
0x20: {  	[sflag:s8] =	ssyncset.s32 @!p0 $0xFFFFF086;
	s6 =	sadd.s32 @!p0 s3, s7;
	s7 =	simm.s32 @!p0 $0x108  }
0x21: {  	s3 =	sadd.s32 s3, s9;
	s6 =	sadd.s32 @!p0 $0x88, s6;
	s7 =	simm.s32 @p2 $0x1082  }
0x22: {  	[simem:s7], [sflag:s8] =	dma.local @!p0 [hbm:s6], $0xF7A  }
0x23: {  	s9 =	sor.u32 $0xD0000000, s2;
	s6 =	simm.s32 $0x108;
	_ =	swait.ge @!p0 [sflag:s8], $0x0  }
0x24: {  	s3 =	sadd.s32 $0x88, s3;
	s6 =	simm.s32 @!p1 $0x1082;
	[sflag:s4] =	ssyncset.s32 $0xFFFFF086  }
0x25: {  	[simem:s6], [sflag:s4] =	dma.local [hbm:s3], $0xF7A  }
0x26: {  	[smem:$0x3F93] =	sst s1;
	(tag) =	ssettag s2;
	_ =	strace s9  }
0x27: {  	s1 =	sld [smem:$0x3FA3]  }
0x28: {  	s2 =	sld [smem:$0x3FA4]  }
0x29: {  	s4 =	sld [smem:$0x3FA6]  }
0x2a: {  	p0 =	seq.s32 s5, $0x0;
	s5 =	sld [smem:$0x3FA7]  }
0x2b: {  	s6 =	sld [smem:$0x3FA8]  }
0x2c: {  	s7 =	sld [smem:$0x3FA9]  }
0x2d: {  	s3 =	simm.s32 $0x108;
	s8 =	sld [smem:$0x3FAA]  }
0x2e: {  	s3 =	simm.s32 @!p0 $0x1082;
	s9 =	sld [smem:$0x3FAB]  }
0x2f: {  	lr =	sadd.s32 s0, s3;
	s0 =	sld [smem:$0x3FA2]  }
0x30: {  	s3 =	sld [smem:$0x3FA5]  }
0x31: {  	[smem:$0x3FAE] =	sst s10  }
0x32: {  	s10 =	sld [smem:$0x3FAC];
	_ =	sdelay $0x3  }
0x33: {  	p0 =	seq.s32 s10, $0x1;
	s10 =	sld [smem:$0x3FAE];
	_ =	sdelay $0x3  }
0x34: {  	[smem:$0x3FAE] =	sst s10  }
0x35: {  	s10 =	sld [smem:$0x3FAD];
	_ =	sdelay $0x3  }
0x36: {  	p1 =	seq.s32 s10, $0x1;
	s10 =	sld [smem:$0x3FAE];
	_ =	sdelay $0x3  }
0x37: {  	[smem:$0x3FAE] =	sst s10  }
0x38: {  	s10 =	sld [smem:$0x3FAF]  }
0x39: {  	_ = 	snop;
	(pc) =	sbr.ind lr, $3  }
0x3a: {  	_ = 	snop  }
0x3b: {  	_ = 	snop  }
0x3c: {  	p2 =	seq.s32 s10, $0x1;
	s10 =	sld [smem:$0x3FAE]  }
0x3d: {  	_ =	shalt  }
0x3e: {  	_ =	shalt  }
0x3f: {  	_ =	shalt  }
0x40: {  	_ =	shalt  }
0x41: {  	_ =	shalt  }
0x42: {  	_ =	shalt  }
0x43: {  	_ =	shalt  }
0x44: {  	_ =	shalt  }
0x45: {  	_ =	shalt  }
0x46: {  	_ =	shalt  }
0x47: {  	_ =	shalt  }
0x48: {  	_ =	shalt  }
0x49: {  	_ =	shalt  }
0x4a: {  	_ =	shalt  }
0x4b: {  	_ =	shalt  }
0x4c: {  	_ =	shalt  }
0x4d: {  	_ =	shalt  }
0x4e: {  	_ =	shalt  }
0x4f: {  	_ =	shalt  }
0x50: {  	_ =	shalt  }
0x51: {  	_ =	shalt  }
0x52: {  	_ =	shalt  }
0x53: {  	_ =	shalt  }
0x54: {  	_ =	shalt  }
0x55: {  	_ =	shalt  }
0x56: {  	_ =	shalt  }
0x57: {  	_ =	shalt  }
0x58: {  	_ =	shalt  }
0x59: {  	_ =	shalt  }
0x5a: {  	_ =	shalt  }
0x5b: {  	_ =	shalt  }
0x5c: {  	_ =	shalt  }
0x5d: {  	_ =	shalt  }
0x5e: {  	_ =	shalt  }
0x5f: {  	_ =	shalt  }
0x60: {  	_ =	shalt  }
0x61: {  	_ =	shalt  }
0x62: {  	_ =	shalt  }
0x63: {  	_ =	shalt  }
0x64: {  	_ =	shalt  }
0x65: {  	_ =	shalt  }
0x66: {  	_ =	shalt  }
0x67: {  	_ =	shalt  }
0x68: {  	_ =	shalt  }
0x69: {  	_ =	shalt  }
0x6a: {  	_ =	shalt  }
0x6b: {  	_ =	shalt  }
0x6c: {  	_ =	shalt  }
0x6d: {  	_ =	shalt  }
0x6e: {  	_ =	shalt  }
0x6f: {  	_ =	shalt  }
0x70: {  	_ =	shalt  }
0x71: {  	_ =	shalt  }
0x72: {  	_ =	shalt  }
0x73: {  	_ =	shalt  }
0x74: {  	_ =	shalt  }
0x75: {  	_ =	shalt  }
0x76: {  	_ =	shalt  }
0x77: {  	_ =	shalt  }
0x78: {  	_ =	shalt  }
0x79: {  	_ =	shalt  }
0x7a: {  	_ =	shalt  }
0x7b: {  	_ =	shalt  }
0x7c: {  	_ =	shalt  }
0x7d: {  	_ =	shalt  }
0x7e: {  	_ =	shalt  }
0x7f: {  	_ =	shalt  }
0x80: {  	_ =	shalt  }
0x81: {  	_ =	shalt  }
0x82: {  	_ =	shalt  }
0x83: {  	_ =	shalt  }
0x84: {  	_ =	shalt  }
0x85: {  	_ =	shalt  }
0x86: {  	_ =	shalt  }
0x87: {  	_ =	shalt  }
.Lfunc_end0:
.L_simem_size_0:
called_computation_lowered:
.L_overlay_start_0:
0x88: {  	s2 =	sld [smem:$0x3FD9]  }
0x89: {  	s3 =	sld [smem:$0x3FFE];
	_ =	sdelay $0x1  }
0x8a: {  	s1 =	srdreg.scid  }
0x8b: {  	s0 =	sand.u32 $0x1, s1  }
0x8c: {  	s14 =	sshll.u32 s0, $0xA;
	s2 =	sadd.s32 s3, s2  }
0x8d: {  	s2 =	sadd.s32 s2, s14  }
0x8e: {  	[smem:$0x3FBA] =	sst s2  }
0x8f: {  	_ = 	snop  }
0x90: {  	s2 =	sld [smem:$0x3FD0];
	_ =	sdelay $0x2  }
0x91: {  	s15 =	simm.s32 $0xA;
	s4 =	simm.s32 $0x10  }
0x92: {  	[smem:s4], [sflag:s15] =	dma.local [hbm:s2], $0x1  }
0x93: {  	_ =	swait.eq [sflag:s15], $0x1  }
0x94: {  	[sflag:s15] =	ssyncset.done $0x0  }
0x95: {  	[sflag:s15] =	ssyncadd.s32 $0xFFFFFFFF  }
0x96: {  	s16 =	sld [smem:$0x11];
	(tm) =	ssettm $0x1  }
0x97: {  	s17 =	sld [smem:$0x3FFB];
	_ =	sdelay $0x3  }
0x98: {  	_ =	strace s17  }
0x99: {  	s3 =	sld [smem:$0x3FFC];
	_ =	sdelay $0x3  }
0x9a: {  	_ =	strace s3  }
0x9b: {  	s3 =	sld [smem:$0x3FFD];
	_ =	sdelay $0x3  }
0x9c: {  	_ =	strace s3  }
0x9d: {  	_ =	strace $0x8FFFFFFF  }
0x9e: {  	s18 =	sld [smem:$0x3FDB];
	_ =	sdelay $0x1  }
0x9f: {  	s19 =	simm.s32 $_scs_section_size  }
0xa0: {  	s5 =	simm.s32 $_size__tile_overlayer_lowered;
	s6 =	simm.s32 $_tile_overlayer_lowered  }
0xa1: {  	s22 =	simm.s32 $0x1BFF;
	s21 =	sshll.u32 s6, $0x1;
	s3 =	sadd.s32 s19, s18  }
0xa2: {  	s7 =	simm.s32 $0x0;
	s20 =	sshll.u32 s5, $0x1;
	s5 =	sadd.s32 s21, s3  }
0xa3: {  	[timem:s7], [sflag:s22] =	dma.local [hbm:s5], s20  }
0xa4: {  	_ =	swait.ge [sflag:s22], s20  }
0xa5: {  	s4 =	ssub.s32 $0x0, s20;
	[sflag:s22] =	ssyncset.done $0x0  }
0xa6: {  	[sflag:s22] =	ssyncadd.s32 s4;
	_ =	sdelay $0x1  }
0xa7: {  	s23 =	simm.s32 $0x1B8B  }
0xa8: {  	_ =	swait.ge [sflag:s23], $0x1  }
0xa9: {  	[sflag:s23] =	ssyncset.done $0x0  }
0xaa: {  	s25 =	simm.s32 $0x1B8E;
	s24 =	sld [smem:$0x3FFE];
	[sflag:s23] =	ssyncadd.s32 $0xFFFFFFFF  }
0xab: {  	s26 =	simm.s32 $execute0_lowered;
	[smem:$0x3FD2] =	sst s25  }
0xac: {  	s5 =	sshll.u32 s26, $0x1;
	_ =	strace $0x80000046;
	[dreg:$0x1] =	wrdreg $0xFFFFFFFF  }
0xad: {  	s28 =	simm.s32 $_size_execute0_lowered;
	s3 =	sadd.s32 s3, s5;
	[dreg:$0x0] =	wrdreg $0x0  }
0xae: {  	s5 =	sshll.u32 s28, $0x1;
	[dreg:$0x2] =	wrdreg s3  }
0xaf: {  	[dreg:$0x3] =	wrdreg s5  }
0xb0: {  	[dreg:$0x4] =	wrdreg $0xC0  }
0xb1: {  	_ =	task [dreg:s7], $0x5FFFF  }
0xb2: {  	[dreg:$0x1] =	wrdreg $0xFFFFFFFF  }
0xb3: {  	[dreg:$0x0] =	wrdreg $0x60  }
0xb4: {  	[dreg:$0x2] =	wrdreg s16  }
0xb5: {  	[dreg:$0x3] =	wrdreg s24  }
0xb6: {  	[dreg:$0x4] =	wrdreg $0x9  }
0xb7: {  	_ =	task.clear_ibuf [dreg:s7], $0x5FFFF;
	_ =	strace $0x90000046  }
0xb8: {  	s29 =	simm.s32 $0x9;
	_ =	strace $0x80000048  }
0xb9: {  	_ =	swait.ge [sflag:s29], $0x1  }
0xba: {  	[sflag:s29] =	ssyncadd.s32 $0xFFFFFFFF  }
0xbb: {  	_ =	strace $0x90000048  }
0xbc: {  	_ =	sfence  }
0xbd: {  	s30 =	sld [smem:$0x0];
	_ =	sdelay $0x2  }
0xbe: {  	s31 =	sshll.u32 s1, $0xD;
	s1 =	sshrl.u32 s1, $0x2  }
0xbf: {  	s3 =	sand.u32 $0x4000, s31;
	s1 =	sadd.s32 s1, s30  }
0xc0: {  	s0 =	sor.u32 s3, s0;
	s1 =	sshll.u32 s1, $0x11  }
0xc1: {  	s0 =	sor.u32 s1, s0  }
0xc2: {  	s0 =	sadd.s32 $0x8F2B, s0  }
0xc3: {  	[sflag:s0] =	ssyncadd.remote.s32 $0x1  }
0xc4: {  	_ =	sfence.sel $0xFFFF  }
0xc5: {  	[dreg:$0x0] =	wrdreg $0xFFFFFFFF;
	(pc) =	sbr.abs _section_cstart, $3  }
0xc6: {  	[dreg:$0x1] =	wrdreg $0xFFFFFFFF  }
0xc7: {  	_ =	task.clear_ibuf [dreg:s7], $0x2FFFF;
	_ =	strace $0x9FFFFFFF  }
0xc8: {  	(tm) =	ssettm $0x7FFFFFFF  }
0xc9: {  	_ =	shalt  }
tec
execute0_lowered:
.L_overlay_start_1:
0x0: {  	(tag) =	ssettag $0x1  }
0x1: {  	s1 =	rddreg [dreg:$0x0]  }
0x2: {  	s4 =	rddreg [dreg:$0x1]  }
0x3: {  	s0 =	rddreg [dreg:$0x2]  }
0x4: {  	s3 =	simm.s32 $0x0;
	s5 =	srdreg.scid;
	s2 =	stileid.u32  }
0x5: {  	s10 =	simm.s32 $0x5;
	s11 =	simm.s32 $0x80;
	s12 =	simm.s32 $0x200  }
0x6: {  	s13 =	simm.s32 $0x4200;
	s14 =	simm.s32 $0x8200;
	s15 =	simm.s32 $0x180  }
0x7: {  	s16 =	simm.s32 $0xC200;
	s17 =	simm.s32 $0x1;
	s18 =	simm.s32 $0x3  }
0x8: {  	s19 =	simm.s32 $0x2;
	s20 =	simm.s32 $0x4;
	s21 =	simm.s32 $0x0  }
0x9: {  	[smem:$0x7FF] =	sst s3;
	s5 =	sand.u32 $0x1, s5;
	s6 =	sshll.u32 s2, $0x1  }
0xa: {  	_ =	strace $0x80000047;
	s6 =	sor.u32 s5, s6;
	s5 =	ssub.s32 $0x2, s5  }
0xb: {  	s7 =	sshll.u32 s6, $0x5;
	s6 =	sshll.u32 s6, $0xC;
	s8 =	sshrl.u32 s5, $0x1  }
0xc: {  	s7 =	sadd.s32 s7, s4;
	s9 =	sadd.s32 s6, s4;
	s8 =	ssub.s32 s5, s8  }
0xd: {  	s4 =	sadd.s32 $0x2C00, s7;
	s5 =	sadd.s32 $0x3000, s7;
	s6 =	sadd.s32 $0x3400, s9  }
0xe: {  	s7 =	sadd.s32 $0x3C00, s9;
	s8 =	smax.u32 s8, $0x1;
	s9 =	simm.s32 $0x100  }
.LBB2_1:
0xf: {  	[tilespmem:s3], [sflag:$0x5] =	stream.linear.gather [hbm4b:s4+s3], $0x100, $0x38;
	[tilespmem:$0x10200] =	vst v63  }
0x10: {  	_ = 	snop  }
0x11: {  	[tilespmem:s9], [sflag:$0x5] =	stream.linear.gather [hbm4b:s5+s3], $0x100, $0x38;
	[tilespmem:$0x10200] =	vst v63  }
0x12: {  	_ =	swait.ge [sflag:s10], $0x100  }
0x13: {  	[sflag:s10] =	ssyncset.done $0x0  }
0x14: {  	[sflag:s10] =	ssyncadd.s32 $0xFFFFFF00  }
0x15: {  	_ =	swait.ge [sflag:s10], $0x100  }
0x16: {  	[sflag:s10] =	ssyncset.done $0x0  }
0x17: {  	[sflag:s10] =	ssyncadd.s32 $0xFFFFFF00  }
0x18: {  	[tilespmem:s12], [sflag:$0x1] =	stream.indirect.gather [hbm4b:s1+s11], $0x80, s3, s11, $0xb8;
	[tilespmem:$0x10200] =	vst v63  }
0x19: {  	_ = 	snop  }
0x1a: {  	[tilespmem:s13], [sflag:$0x2] =	stream.indirect.gather [hbm4b:s1+s11], $0x80, s11, s11, $0xb8;
	[tilespmem:$0x10200] =	vst v63  }
0x1b: {  	_ = 	snop  }
0x1c: {  	[tilespmem:s14], [sflag:$0x3] =	stream.indirect.gather [hbm4b:s1+s11], $0x80, s9, s11, $0xb8;
	[tilespmem:$0x10200] =	vst v63  }
0x1d: {  	_ = 	snop  }
0x1e: {  	[tilespmem:s16], [sflag:$0x4] =	stream.indirect.gather [hbm4b:s1+s11], $0x80, s15, s11, $0xb8;
	[tilespmem:$0x10200] =	vst v63  }
0x1f: {  	_ =	swait.ge [sflag:s17], $0x4000  }
0x20: {  	[sflag:s17] =	ssyncset.done $0x0  }
0x21: {  	[sflag:s17] =	ssyncadd.s32 $0xFFFFC000  }
0x22: {  	_ =	swait.ge [sflag:s18], $0x4000  }
0x23: {  	[sflag:s18] =	ssyncset.done $0x0  }
0x24: {  	s22 =	simm.s32 $0x0;
	[sflag:s18] =	ssyncadd.s32 $0xFFFFC000  }
0x25: {  	v7 =	vld [tilespmem:s22+$0x8200]  }
0x26: {  	v11 =	vld [tilespmem:s22+$0x8210]  }
0x27: {  	v5 =	vld [tilespmem:s22+$0x8220]  }
0x28: {  	v4 =	vld [tilespmem:s22+$0x8230]  }
0x29: {  	v3 =	vld [tilespmem:s22+$0x8240]  }
0x2a: {  	v2 =	vld [tilespmem:s22+$0x8250]  }
0x2b: {  	v1 =	vld [tilespmem:s22+$0x8260]  }
0x2c: {  	v0 =	vld [tilespmem:s22+$0x8270]  }
0x2d: {  	v12 =	vld [tilespmem:s22+$0x200]  }
0x2e: {  	v13 =	vld [tilespmem:s22+$0x210]  }
0x2f: {  	v10 =	vld [tilespmem:s22+$0x220]  }
0x30: {  	v9 =	vld [tilespmem:s22+$0x230]  }
0x31: {  	v8 =	vld [tilespmem:s22+$0x240]  }
0x32: {  	v6 =	vld [tilespmem:s22+$0x250];
	v12 =	vadd.f32 v7, v12  }
0x33: {  	s23 =	simm.s32 $0x200;
	v11 =	vadd.f32 v11, v13;
	v7 =	vld [tilespmem:s22+$0x260]  }
.LBB2_2:
0x34: {  	s24 =	sshra.s32 s23, $0x2;
	p0 =	sne.s32 s23, $0xFE00;
	[tilespmem:s22+$0x200] =	vst v12;
	v5 =	vadd.f32 v5, v10;
	v10 =	vld [tilespmem:s22+$0x270]  }
0x35: {  	v12 =	vld [tilespmem:s24+$0x8200];
	[tilespmem:s22+$0x210] =	vst v11;
	v4 =	vadd.f32 v4, v9  }
0x36: {  	v11 =	vld [tilespmem:s24+$0x8210];
	[tilespmem:s22+$0x220] =	vst v5;
	v3 =	vadd.f32 v3, v8  }
0x37: {  	v5 =	vld [tilespmem:s24+$0x8220];
	[tilespmem:s22+$0x230] =	vst v4;
	v2 =	vadd.f32 v2, v6  }
0x38: {  	v4 =	vld [tilespmem:s24+$0x8230];
	[tilespmem:s22+$0x240] =	vst v3;
	v1 =	vadd.f32 v1, v7  }
0x39: {  	v3 =	vld [tilespmem:s24+$0x8240];
	[tilespmem:s22+$0x250] =	vst v2;
	v0 =	vadd.f32 v0, v10  }
0x3a: {  	v2 =	vld [tilespmem:s24+$0x8250];
	[tilespmem:s22+$0x260] =	vst v1  }
0x3b: {  	v1 =	vld [tilespmem:s24+$0x8260];
	[tilespmem:s22+$0x270] =	vst v0;
	s22 =	smov.u32 s24  }
0x3c: {  	v0 =	vld [tilespmem:s22+$0x8270]  }
0x3d: {  	v6 =	vld [tilespmem:s22+$0x200]  }
0x3e: {  	v7 =	vld [tilespmem:s22+$0x210]  }
.Ltmp0:
0x3f: {  	v10 =	vld [tilespmem:s22+$0x220];
	(pc) =	sbr.rel @p0 .LBB2_2-.Ltmp0, $4  }
0x40: {  	v9 =	vld [tilespmem:s22+$0x230]  }
0x41: {  	v8 =	vld [tilespmem:s22+$0x240]  }
0x42: {  	v12 =	vadd.f32 v12, v6;
	v6 =	vld [tilespmem:s22+$0x250]  }
0x43: {  	s23 =	sadd.s32 $0x200, s23;
	v11 =	vadd.f32 v11, v7;
	v7 =	vld [tilespmem:s22+$0x260]  }
0x44: {  	[tilespmem:s22+$0x200] =	vst v12;
	v5 =	vadd.f32 v5, v10;
	v10 =	vld [tilespmem:s22+$0x270]  }
0x45: {  	[tilespmem:s22+$0x210] =	vst v11;
	v4 =	vadd.f32 v4, v9  }
0x46: {  	[tilespmem:s22+$0x220] =	vst v5;
	v3 =	vadd.f32 v3, v8  }
0x47: {  	[tilespmem:s22+$0x230] =	vst v4;
	v2 =	vadd.f32 v2, v6  }
0x48: {  	[tilespmem:s22+$0x240] =	vst v3;
	v1 =	vadd.f32 v1, v7  }
0x49: {  	[tilespmem:s22+$0x250] =	vst v2;
	v0 =	vadd.f32 v0, v10  }
0x4a: {  	[tilespmem:s22+$0x260] =	vst v1  }
0x4b: {  	s31 =	simm.s32 $0x0;
	[tilespmem:s22+$0x270] =	vst v0  }
0x4c: {  	[hbm4b:s6+s31] =	stream.linear.scatter [tilespmem:s12], [sflag:$0x5], $0x4000, $0x38;
	[tilespmem:$0x10200] =	vst v63  }
0x4d: {  	_ =	swait.ge [sflag:s19], $0x4000  }
0x4e: {  	[sflag:s19] =	ssyncset.done $0x0  }
0x4f: {  	[sflag:s19] =	ssyncadd.s32 $0xFFFFC000  }
0x50: {  	_ =	swait.ge [sflag:s20], $0x4000  }
0x51: {  	[sflag:s20] =	ssyncset.done $0x0  }
0x52: {  	s22 =	simm.s32 $0x0;
	[sflag:s20] =	ssyncadd.s32 $0xFFFFC000  }
0x53: {  	v7 =	vld [tilespmem:s22+$0xC200]  }
0x54: {  	v11 =	vld [tilespmem:s22+$0xC210]  }
0x55: {  	v5 =	vld [tilespmem:s22+$0xC220]  }
0x56: {  	v4 =	vld [tilespmem:s22+$0xC230]  }
0x57: {  	v3 =	vld [tilespmem:s22+$0xC240]  }
0x58: {  	v2 =	vld [tilespmem:s22+$0xC250]  }
0x59: {  	v1 =	vld [tilespmem:s22+$0xC260]  }
0x5a: {  	v0 =	vld [tilespmem:s22+$0xC270]  }
0x5b: {  	v12 =	vld [tilespmem:s22+$0x4200]  }
0x5c: {  	v13 =	vld [tilespmem:s22+$0x4210]  }
0x5d: {  	v10 =	vld [tilespmem:s22+$0x4220]  }
0x5e: {  	v9 =	vld [tilespmem:s22+$0x4230]  }
0x5f: {  	v8 =	vld [tilespmem:s22+$0x4240]  }
0x60: {  	v6 =	vld [tilespmem:s22+$0x4250];
	v12 =	vadd.f32 v7, v12  }
0x61: {  	s23 =	simm.s32 $0x200;
	v11 =	vadd.f32 v11, v13;
	v7 =	vld [tilespmem:s22+$0x4260]  }
.LBB2_4:
0x62: {  	s24 =	sshra.s32 s23, $0x2;
	p0 =	sne.s32 s23, $0xFE00;
	[tilespmem:s22+$0x4200] =	vst v12;
	v5 =	vadd.f32 v5, v10;
	v10 =	vld [tilespmem:s22+$0x4270]  }
0x63: {  	v12 =	vld [tilespmem:s24+$0xC200];
	[tilespmem:s22+$0x4210] =	vst v11;
	v4 =	vadd.f32 v4, v9  }
0x64: {  	v11 =	vld [tilespmem:s24+$0xC210];
	[tilespmem:s22+$0x4220] =	vst v5;
	v3 =	vadd.f32 v3, v8  }
0x65: {  	v5 =	vld [tilespmem:s24+$0xC220];
	[tilespmem:s22+$0x4230] =	vst v4;
	v2 =	vadd.f32 v2, v6  }
0x66: {  	v4 =	vld [tilespmem:s24+$0xC230];
	[tilespmem:s22+$0x4240] =	vst v3;
	v1 =	vadd.f32 v1, v7  }
0x67: {  	v3 =	vld [tilespmem:s24+$0xC240];
	[tilespmem:s22+$0x4250] =	vst v2;
	v0 =	vadd.f32 v0, v10  }
0x68: {  	v2 =	vld [tilespmem:s24+$0xC250];
	[tilespmem:s22+$0x4260] =	vst v1  }
0x69: {  	v1 =	vld [tilespmem:s24+$0xC260];
	[tilespmem:s22+$0x4270] =	vst v0;
	s22 =	smov.u32 s24  }
0x6a: {  	v0 =	vld [tilespmem:s22+$0xC270]  }
0x6b: {  	v6 =	vld [tilespmem:s22+$0x4200]  }
0x6c: {  	v7 =	vld [tilespmem:s22+$0x4210]  }
.Ltmp1:
0x6d: {  	v10 =	vld [tilespmem:s22+$0x4220];
	(pc) =	sbr.rel @p0 .LBB2_4-.Ltmp1, $4  }
0x6e: {  	v9 =	vld [tilespmem:s22+$0x4230]  }
0x6f: {  	v8 =	vld [tilespmem:s22+$0x4240]  }
0x70: {  	v12 =	vadd.f32 v12, v6;
	v6 =	vld [tilespmem:s22+$0x4250]  }
0x71: {  	s23 =	sadd.s32 $0x200, s23;
	v11 =	vadd.f32 v11, v7;
	v7 =	vld [tilespmem:s22+$0x4260]  }
0x72: {  	[tilespmem:s22+$0x4200] =	vst v12;
	v5 =	vadd.f32 v5, v10;
	v63 =	vld [tilespmem:s22+$0x4270]  }
0x73: {  	[tilespmem:s22+$0x4210] =	vst v11;
	v4 =	vadd.f32 v4, v9  }
0x74: {  	[tilespmem:s22+$0x4220] =	vst v5;
	v3 =	vadd.f32 v3, v8  }
0x75: {  	[tilespmem:s22+$0x4230] =	vst v4;
	v2 =	vadd.f32 v2, v6  }
0x76: {  	[tilespmem:s22+$0x4240] =	vst v3;
	v1 =	vadd.f32 v1, v7  }
0x77: {  	[tilespmem:s22+$0x4250] =	vst v2;
	v0 =	vadd.f32 v0, v63  }
0x78: {  	[tilespmem:s22+$0x4260] =	vst v1  }
0x79: {  	s21 =	sadd.s32 $0x1, s21;
	[tilespmem:s22+$0x4270] =	vst v0  }
0x7a: {  	[hbm4b:s7+s3] =	stream.linear.scatter [tilespmem:s13], [sflag:$0x5], $0x4000, $0x38;
	[tilespmem:$0x10200] =	vst v63  }
0x7b: {  	p0 =	sne.s32 s21, s8;
	_ =	swait.ge [sflag:s10], $0x4000  }
.Ltmp2:
0x7c: {  	[sflag:s10] =	ssyncset.done $0x0;
	(pc) =	sbr.rel @p0 .LBB2_1-.Ltmp2, $4  }
0x7d: {  	[sflag:s10] =	ssyncadd.s32 $0xFFFFC000  }
0x7e: {  	_ =	swait.ge [sflag:s10], $0x4000  }
0x7f: {  	[sflag:s10] =	ssyncset.done $0x0  }
0x80: {  	[sflag:s10] =	ssyncadd.s32 $0xFFFFC000  }
0x81: {  	_ =	sfence.sel $0x180000  }
0x82: {  	[bflag:$0x0] =	sbarrier.arrive $0xFFFF  }
0x83: {  	p0 =	sne.s32 s2, $0x0;
	_ =	strace $0x90000047  }
0x84: {  	s0 =	sadd.s32 @!p0 $0x100000, s0;
	[bflag:$0x2] =	sbarrier.arrive $0xFFFF  }
0x85: {  	[sflag:s0] =	ssyncadd.tile.s32 @!p0 $0x1;
	_ =	shalt  }
.Lfunc_end2:
_tile_overlayer_lowered:
.L_overlay_start_2:
0x86: {  	(tag) =	ssettag $0x2  }
0x87: {  	s0 =	rddreg [dreg:$0x0];
	s2 =	stileid.u32  }
0x88: {  	s1 =	rddreg [dreg:$0x1];
	p0 =	sne.s32 s2, $0x0  }
0x89: {  	s3 =	rddreg [dreg:$0x2];
	[bflag:$0x3] =	sbarrier.arrive $0xFFFF;
	s2 =	simm.s32 @!p0 $0x1C06  }
0x8a: {  	[timem:s3], [sflag:s2] =	dma.local @!p0 [hbm:s0], s1  }
0x8b: {  	s0 =	simm.s32 @!p0 $0x6  }
0x8c: {  	_ =	swait.ge @!p0 [sflag:s0], s1  }
0x8d: {  	s1 =	ssub.s32 @!p0 $0x0, s1;
	[sflag:s0] =	ssyncset.done @!p0 $0x0  }
0x8e: {  	[sflag:s0] =	ssyncadd.s32 @!p0 s1  }
0x8f: {  	[bflag:$0x3] =	sbarrier.arrive $0xFFFF  }
0x90: {  	_ =	shalt  }

</sc_bundles>
